<compile_context>
chip_gen: v7x
topology: tpu7x:2x2x1
jax: 0.10.2.dev20260603
libtpu: 0.0.44.dev20260713+nightly
codegen_flags: <defaults>
</compile_context>

<pallas_src>
import functools

import jax
import jax.numpy as jnp
from jax import lax
from jax.experimental import pallas as pl
from jax.experimental.pallas import tpu as pltpu
from jax.experimental.pallas import tpu_sc as plsc

N = 10000
E = 160000
F_IN = 768
F_HID = 16

NC = 2
NS = 16
NW = NC * NS
CHUNK = 128
CHUNKS_PW = 40
E_PW = CHUNK * CHUNKS_PW
EPAD = NW * E_PW
NPAD = 10240
ROWS_PT = NPAD // NS
DUMMY = 10200

MM_BLK = 640


def _mm1_body(x_ref, w_ref, o_ref):
    o_ref[...] = jnp.dot(x_ref[...], w_ref[...],
                         preferred_element_type=jnp.float32)


def _final_body(q_ref, w_ref, b_ref, o_ref):
    agg = q_ref[0] + q_ref[1]
    outT = lax.dot_general(w_ref[...], agg, (((0,), (1,)), ((), ())),
                           preferred_element_type=jnp.float32)
    o_ref[...] = outT[:, :N] + b_ref[...]


def _make_segsum(fuse_combine):
    mesh = plsc.VectorSubcoreMesh(core_axis_name="c", subcore_axis_name="s")

    scratch = [
        pltpu.VMEM((E_PW,), jnp.int32),
        pltpu.VMEM((E_PW,), jnp.int32),
        [pltpu.VMEM((CHUNK, F_HID), jnp.float32)] * 4,
        pltpu.VMEM((ROWS_PT, F_HID), jnp.float32),
        pltpu.VMEM_SHARED((NPAD, F_HID), jnp.float32),
        pltpu.VMEM_SHARED((NPAD, F_HID), jnp.float32),
        [pltpu.SemaphoreType.DMA] * 4,
        [pltpu.SemaphoreType.DMA] * 4,
    ]
    if fuse_combine:
        scratch.insert(4, pltpu.VMEM((ROWS_PT, F_HID), jnp.float32))
        scratch.insert(5, pltpu.VMEM((ROWS_PT, F_HID), jnp.float32))
        scratch.insert(6, pltpu.VMEM((F_HID,), jnp.float32))

    @functools.partial(
        pl.kernel,
        mesh=mesh,
        out_type=jax.ShapeDtypeStruct((NC, NPAD, F_HID), jnp.float32),
        compiler_params=pltpu.CompilerParams(use_tc_tiling_on_sc=False),
        scratch_types=scratch,
    )
    def segsum(*refs):
        if fuse_combine:
            (p_hbm, b_hbm, edge_hbm, out_hbm,
             idx_s, idx_d, rows, zbuf, pb0, pb1, bbuf, acc, tab,
             gsem, ssem) = refs
        else:
            (table_hbm, edge_hbm, out_hbm,
             idx_s, idx_d, rows, zbuf, acc, tab,
             gsem, ssem) = refs
        c = lax.axis_index("c")
        s = lax.axis_index("s")
        w = c * NS + s
        sl = pl.ds(s * ROWS_PT, ROWS_PT)
        esl = pl.ds(w * E_PW, E_PW)

        cp_is = pltpu.async_copy(edge_hbm.at[0, esl], idx_s, gsem[0])
        cp_id = pltpu.async_copy(edge_hbm.at[1, esl], idx_d, gsem[1])
        if fuse_combine:
            cp_p0 = pltpu.async_copy(p_hbm.at[0, sl], pb0, gsem[2])
            cp_p1 = pltpu.async_copy(p_hbm.at[1, sl], pb1, gsem[3])
            cp_b = pltpu.async_copy(b_hbm, bbuf, ssem[0])
        else:
            cp_tab = pltpu.async_copy(table_hbm.at[sl], tab.at[sl], gsem[2])

        zero = jnp.zeros((F_HID,), jnp.float32)

        def zfill(i, carry):
            zbuf[i, :] = zero
            return carry

        lax.fori_loop(0, ROWS_PT, zfill, 0)

        if fuse_combine:
            cp_p0.wait()
            cp_p1.wait()
            cp_b.wait()
            bias = bbuf[...]

            def combine(i, carry):
                pb0[i, :] = jnp.maximum(pb0[i, :] + pb1[i, :] + bias, 0.0)
                return carry

            lax.fori_loop(0, ROWS_PT, combine, 0)
            pltpu.sync_copy(pb0, tab.at[sl])
        else:
            cp_tab.wait()
        cp_is.wait()
        cp_id.wait()
        pltpu.sync_copy(zbuf, acc.at[sl])
        plsc.subcore_barrier()

        def ich(ref, j):
            return ref.at[pl.ds(j * CHUNK, CHUNK)]

        def gather(j, b):
            return pltpu.async_copy(tab.at[ich(idx_s, j)], rows[b], gsem[b])

        def scatter(j, b):
            return pltpu.async_copy(rows[b], acc.at[ich(idx_d, j)], ssem[b],
                                    add=True)

        gather(0, 0)
        gather(1, 1)

        def ring(g, carry):
            for i in range(4):
                j = 4 * g + i
                pltpu.make_async_copy(tab.at[ich(idx_s, j)], rows[i],
                                      gsem[i]).wait()
                scatter(j, i)
                bi = (i + 2) % 4

                @pl.when(j >= 2)
                def _():
                    pltpu.make_async_copy(rows[bi], acc.at[ich(idx_d, j)],
                                          ssem[bi]).wait()

                @pl.when(j + 2 < CHUNKS_PW)
                def _():
                    gather(j + 2, bi)
            return carry

        lax.fori_loop(0, CHUNKS_PW // 4, ring, 0)
        pltpu.make_async_copy(rows[2], acc.at[ich(idx_d, 0)], ssem[2]).wait()
        pltpu.make_async_copy(rows[3], acc.at[ich(idx_d, 0)], ssem[3]).wait()
        plsc.subcore_barrier()

        pltpu.sync_copy(acc.at[sl], out_hbm.at[c, sl])

    return segsum


_segsum1 = _make_segsum(fuse_combine=False)
_segsum2 = _make_segsum(fuse_combine=True)


def kernel(x, edge_index, W1, b1, W2, b2):
    edges = jnp.pad(edge_index.astype(jnp.int32), ((0, 0), (0, EPAD - E)),
                    constant_values=DUMMY)
    b2r = b2.reshape(-1, 1)

    y = pl.pallas_call(
        _mm1_body,
        grid=(NPAD // MM_BLK,),
        in_specs=[
            pl.BlockSpec((MM_BLK, F_IN), lambda i: (i, 0)),
            pl.BlockSpec((F_IN, F_HID), lambda i: (0, 0)),
        ],
        out_specs=pl.BlockSpec((MM_BLK, F_HID), lambda i: (i, 0)),
        out_shape=jax.ShapeDtypeStruct((NPAD, F_HID), jnp.float32),
    )(x, W1)

    p = _segsum1(y, edges)

    q = _segsum2(p, b1, edges)

    outT = pl.pallas_call(
        _final_body,
        out_shape=jax.ShapeDtypeStruct((b2.shape[0], N), jnp.float32),
    )(q, W2, b2r)
    return outT.T

# --- scband reference (transcript-rebuilt; emitter-appended) ---
"""Pipeline reference for scband-net-72009421685167 (READ-ONLY COPY).

The authoritative reference and input builder live on the scoring server;
editing this copy changes nothing except your own understanding.
"""

import jax, jax.numpy as jnp
import numpy as np

N_NODES = 10000
N_EDGES = 160000
IN_FEATS = 768
HID_FEATS = 16
OUT_FEATS = 21


def setup_inputs(seed: int = 0) -> dict:
    key = jax.random.key(seed)
    k_x, k_e, k_w1, k_b1, k_w2, k_b2 = jax.random.split(key, 6)
    x = jax.random.normal(k_x, (N_NODES, IN_FEATS), dtype=jnp.float32)
    edge_index = jax.random.randint(k_e, (2, N_EDGES), 0, N_NODES, dtype=jnp.int32)
    W1 = jax.random.normal(k_w1, (IN_FEATS, HID_FEATS), dtype=jnp.float32) * (1.0 / np.sqrt(IN_FEATS))
    b1 = jax.random.normal(k_b1, (HID_FEATS,), dtype=jnp.float32) * 0.01
    W2 = jax.random.normal(k_w2, (HID_FEATS, OUT_FEATS), dtype=jnp.float32) * (1.0 / np.sqrt(HID_FEATS))
    b2 = jax.random.normal(k_b2, (OUT_FEATS,), dtype=jnp.float32) * 0.01
    return {"x": x, "edge_index": edge_index, "W1": W1, "b1": b1, "W2": W2, "b2": b2}


def reference(x, edge_index, W1, b1, W2, b2):
    # DGL update_all(copy_src, sum): for each dst node, sum incoming src features.
    src = edge_index[0]
    dst = edge_index[1]
    n = x.shape[0]
    # GCN layer 1: aggregate then apply linear + relu (apply_nodes with NodeApplyModule)
    agg1 = jax.ops.segment_sum(jnp.take(x, src, axis=0), dst, num_segments=n)
    h1 = jax.nn.relu(agg1 @ W1 + b1)
    # GCN layer 2: aggregate then apply linear (no activation)
    agg2 = jax.ops.segment_sum(jnp.take(h1, src, axis=0), dst, num_segments=n)
    out = agg2 @ W2 + b2
    return out

if __name__ == "__main__":
    import jax
    _d = setup_inputs()
    print(jax.jit(kernel)(*tuple(_d.values())))

</pallas_src>

<mosaic_0001>
#map = affine_map<(d0, d1) -> (0, 0)>
#map1 = affine_map<(d0, d1) -> (0, 0, 0)>
module attributes {stable_mosaic.version = 14 : i64} {
  func.func @segsum(%arg0: i32, %arg1: i32, %arg2: memref<10240x16xf32, #tpu.memory_space<hbm>>, %arg3: memref<2x163840xi32, #tpu.memory_space<hbm>>, %arg4: memref<2x10240x16xf32, #tpu.memory_space<hbm>>, %arg5: memref<5120xi32, #tpu.memory_space<vmem>>, %arg6: memref<5120xi32, #tpu.memory_space<vmem>>, %arg7: memref<128x16xf32, #tpu.memory_space<vmem>>, %arg8: memref<128x16xf32, #tpu.memory_space<vmem>>, %arg9: memref<128x16xf32, #tpu.memory_space<vmem>>, %arg10: memref<128x16xf32, #tpu.memory_space<vmem>>, %arg11: memref<640x16xf32, #tpu.memory_space<vmem>>, %arg12: memref<10240x16xf32, #tpu.memory_space<vmem_shared>>, %arg13: memref<10240x16xf32, #tpu.memory_space<vmem_shared>>, %arg14: memref<!tpu.dma_semaphore, #tpu.memory_space<semaphore_mem>>, %arg15: memref<!tpu.dma_semaphore, #tpu.memory_space<semaphore_mem>>, %arg16: memref<!tpu.dma_semaphore, #tpu.memory_space<semaphore_mem>>, %arg17: memref<!tpu.dma_semaphore, #tpu.memory_space<semaphore_mem>>, %arg18: memref<!tpu.dma_semaphore, #tpu.memory_space<semaphore_mem>>, %arg19: memref<!tpu.dma_semaphore, #tpu.memory_space<semaphore_mem>>, %arg20: memref<!tpu.dma_semaphore, #tpu.memory_space<semaphore_mem>>, %arg21: memref<!tpu.dma_semaphore, #tpu.memory_space<semaphore_mem>>) attributes {dimension_semantics = [#tpu.dimension_semantics<core_parallel>, #tpu.dimension_semantics<subcore_parallel>], iteration_bounds = array<i64: 2, 16>, scalar_prefetch = 0 : i64, scratch_operands = 17 : i64, tpu.core_type = #tpu.core_type<sc_vector_subcore>, window_params = [{transform_indices = #map}, {transform_indices = #map}, {transform_indices = #map1}]} {
    %mul3A = arith.constant 16 : i32
    %mul3A_0 = arith.muli %arg0, %mul3A : i32
    %add3A = arith.addi %mul3A_0, %arg1 : i32
    %mul3A_1 = arith.constant 640 : i32
    %mul3A_2 = arith.muli %arg1, %mul3A_1 : i32
    %mul3A_3 = arith.constant 5120 : i32
    %mul3A_4 = arith.muli %add3A, %mul3A_3 : i32
    %dma_start3A = arith.constant 0 : i32
    %dma_start3A_5 = tpu.memref_slice %arg3[%dma_start3A, %mul3A_4] : memref<2x163840xi32, #tpu.memory_space<hbm>> -> memref<1x5120xi32, #tpu.memory_space<hbm>>
    %dma_start3A_6 = tpu.memref_squeeze %dma_start3A_5 : memref<1x5120xi32, #tpu.memory_space<hbm>> -> memref<5120xi32, #tpu.memory_space<hbm>>
    %dma_start3A_7 = tpu.memref_slice %arg3[%dma_start3A, %mul3A_4] : memref<2x163840xi32, #tpu.memory_space<hbm>> -> memref<1x5120xi32, #tpu.memory_space<hbm>>
    %dma_start3A_8 = tpu.memref_squeeze %dma_start3A_7 : memref<1x5120xi32, #tpu.memory_space<hbm>> -> memref<5120xi32, #tpu.memory_space<hbm>>
    tpu.enqueue_dma source(%dma_start3A_8 : memref<5120xi32, #tpu.memory_space<hbm>>) target(%arg5 : memref<5120xi32, #tpu.memory_space<vmem>>) target_semaphore(%arg14 : memref<!tpu.dma_semaphore, #tpu.memory_space<semaphore_mem>>)
    %dma_start3A_9 = arith.constant 1 : i32
    %dma_start3A_10 = tpu.memref_slice %arg3[%dma_start3A_9, %mul3A_4] : memref<2x163840xi32, #tpu.memory_space<hbm>> -> memref<1x5120xi32, #tpu.memory_space<hbm>>
    %dma_start3A_11 = tpu.memref_squeeze %dma_start3A_10 : memref<1x5120xi32, #tpu.memory_space<hbm>> -> memref<5120xi32, #tpu.memory_space<hbm>>
    %dma_start3A_12 = tpu.memref_slice %arg3[%dma_start3A_9, %mul3A_4] : memref<2x163840xi32, #tpu.memory_space<hbm>> -> memref<1x5120xi32, #tpu.memory_space<hbm>>
    %dma_start3A_13 = tpu.memref_squeeze %dma_start3A_12 : memref<1x5120xi32, #tpu.memory_space<hbm>> -> memref<5120xi32, #tpu.memory_space<hbm>>
    tpu.enqueue_dma source(%dma_start3A_13 : memref<5120xi32, #tpu.memory_space<hbm>>) target(%arg6 : memref<5120xi32, #tpu.memory_space<vmem>>) target_semaphore(%arg15 : memref<!tpu.dma_semaphore, #tpu.memory_space<semaphore_mem>>)
    %dma_start3A_14 = arith.constant 0 : i32
    %dma_start3A_15 = tpu.memref_slice %arg13[%mul3A_2, %dma_start3A_14] : memref<10240x16xf32, #tpu.memory_space<vmem_shared>> -> memref<640x16xf32, #tpu.memory_space<vmem_shared>>
    %dma_start3A_16 = arith.constant 0 : i32
    %dma_start3A_17 = tpu.memref_slice %arg2[%mul3A_2, %dma_start3A_16] : memref<10240x16xf32, #tpu.memory_space<hbm>> -> memref<640x16xf32, #tpu.memory_space<hbm>>
    tpu.enqueue_dma source(%dma_start3A_17 : memref<640x16xf32, #tpu.memory_space<hbm>>) target(%dma_start3A_15 : memref<640x16xf32, #tpu.memory_space<vmem_shared>>) target_semaphore(%arg16 : memref<!tpu.dma_semaphore, #tpu.memory_space<semaphore_mem>>)
    %broadcast_in_dim3A = arith.constant 0.000000e+00 : f32
    %broadcast_in_dim3A_18 = vector.broadcast %broadcast_in_dim3A : f32 to vector<16xf32>
    %scan3A = arith.constant 0 : i32
    %scan3A_19 = arith.constant 0 : i32
    %scan3A_20 = arith.constant 640 : i32
    %scan3A_21 = arith.addi %scan3A_19, %scan3A_20 : i32
    %scan3A_22 = arith.constant 1 : i32
    scf.for %scan3A_64 = %scan3A_19 to %scan3A_21 step %scan3A_22  : i32 {
      %swap3A = arith.index_cast %scan3A_64 : i32 to index
      %swap3A_65 = arith.constant 0 : index
      %swap3A_66 = tpu.vector_load %arg11[%swap3A, %swap3A_65] {strides = array<i32>} : memref<640x16xf32, #tpu.memory_space<vmem>>, vector<1x16xf32>,
      %swap3A_67 = vector.shape_cast %swap3A_66 : vector<1x16xf32> to vector<16xf32>
      %swap3A_68 = vector.shape_cast %broadcast_in_dim3A_18 : vector<16xf32> to vector<1x16xf32>
      tpu.vector_store %arg11[%swap3A, %swap3A_65], %swap3A_68 {strides = array<i32>} : memref<640x16xf32, #tpu.memory_space<vmem>>, vector<1x16xf32>,
    }
    %scan3A_23 = arith.constant 640 : i32
    %dma_wait3A = arith.constant 0 : i32
    %dma_wait3A_24 = tpu.memref_slice %arg13[%mul3A_2, %dma_wait3A] : memref<10240x16xf32, #tpu.memory_space<vmem_shared>> -> memref<640x16xf32, #tpu.memory_space<vmem_shared>>
    %dma_wait3A_25 = arith.constant 0 : i32
    %dma_wait3A_26 = tpu.memref_slice %arg2[%mul3A_2, %dma_wait3A_25] : memref<10240x16xf32, #tpu.memory_space<hbm>> -> memref<640x16xf32, #tpu.memory_space<hbm>>
    tpu.wait_dma2 semaphore(%arg16 : memref<!tpu.dma_semaphore, #tpu.memory_space<semaphore_mem>>) src(%dma_wait3A_26 : memref<640x16xf32, #tpu.memory_space<hbm>>) dst(%dma_wait3A_24 : memref<640x16xf32, #tpu.memory_space<vmem_shared>>)
    %dma_wait3A_27 = arith.constant 0 : i32
    %dma_wait3A_28 = tpu.memref_slice %arg3[%dma_wait3A_27, %mul3A_4] : memref<2x163840xi32, #tpu.memory_space<hbm>> -> memref<1x5120xi32, #tpu.memory_space<hbm>>
    %dma_wait3A_29 = tpu.memref_squeeze %dma_wait3A_28 : memref<1x5120xi32, #tpu.memory_space<hbm>> -> memref<5120xi32, #tpu.memory_space<hbm>>
    %dma_wait3A_30 = tpu.memref_slice %arg3[%dma_wait3A_27, %mul3A_4] : memref<2x163840xi32, #tpu.memory_space<hbm>> -> memref<1x5120xi32, #tpu.memory_space<hbm>>
    %dma_wait3A_31 = tpu.memref_squeeze %dma_wait3A_30 : memref<1x5120xi32, #tpu.memory_space<hbm>> -> memref<5120xi32, #tpu.memory_space<hbm>>
    tpu.wait_dma2 semaphore(%arg14 : memref<!tpu.dma_semaphore, #tpu.memory_space<semaphore_mem>>) src(%dma_wait3A_31 : memref<5120xi32, #tpu.memory_space<hbm>>) dst(%arg5 : memref<5120xi32, #tpu.memory_space<vmem>>)
    %dma_wait3A_32 = arith.constant 1 : i32
    %dma_wait3A_33 = tpu.memref_slice %arg3[%dma_wait3A_32, %mul3A_4] : memref<2x163840xi32, #tpu.memory_space<hbm>> -> memref<1x5120xi32, #tpu.memory_space<hbm>>
    %dma_wait3A_34 = tpu.memref_squeeze %dma_wait3A_33 : memref<1x5120xi32, #tpu.memory_space<hbm>> -> memref<5120xi32, #tpu.memory_space<hbm>>
    %dma_wait3A_35 = tpu.memref_slice %arg3[%dma_wait3A_32, %mul3A_4] : memref<2x163840xi32, #tpu.memory_space<hbm>> -> memref<1x5120xi32, #tpu.memory_space<hbm>>
    %dma_wait3A_36 = tpu.memref_squeeze %dma_wait3A_35 : memref<1x5120xi32, #tpu.memory_space<hbm>> -> memref<5120xi32, #tpu.memory_space<hbm>>
    tpu.wait_dma2 semaphore(%arg15 : memref<!tpu.dma_semaphore, #tpu.memory_space<semaphore_mem>>) src(%dma_wait3A_36 : memref<5120xi32, #tpu.memory_space<hbm>>) dst(%arg6 : memref<5120xi32, #tpu.memory_space<vmem>>)
    "tpu.region"() ({
      %run_scoped3A = tpu.sem_alloc : memref<!tpu.dma_semaphore, #tpu.memory_space<semaphore_mem>>
      %dma_start3A_64 = arith.constant 0 : i32
      %dma_start3A_65 = tpu.memref_slice %arg12[%mul3A_2, %dma_start3A_64] : memref<10240x16xf32, #tpu.memory_space<vmem_shared>> -> memref<640x16xf32, #tpu.memory_space<vmem_shared>>
      %dma_start3A_66 = arith.constant 0 : i32
      %dma_start3A_67 = tpu.memref_slice %arg12[%mul3A_2, %dma_start3A_66] : memref<10240x16xf32, #tpu.memory_space<vmem_shared>> -> memref<640x16xf32, #tpu.memory_space<vmem_shared>>
      tpu.enqueue_dma source(%arg11 : memref<640x16xf32, #tpu.memory_space<vmem>>) target(%dma_start3A_67 : memref<640x16xf32, #tpu.memory_space<vmem_shared>>) target_semaphore(%run_scoped3A : memref<!tpu.dma_semaphore, #tpu.memory_space<semaphore_mem>>)
      %dma_wait3A_68 = arith.constant 0 : i32
      %dma_wait3A_69 = tpu.memref_slice %arg12[%mul3A_2, %dma_wait3A_68] : memref<10240x16xf32, #tpu.memory_space<vmem_shared>> -> memref<640x16xf32, #tpu.memory_space<vmem_shared>>
      %dma_wait3A_70 = arith.constant 0 : i32
      %dma_wait3A_71 = tpu.memref_slice %arg12[%mul3A_2, %dma_wait3A_70] : memref<10240x16xf32, #tpu.memory_space<vmem_shared>> -> memref<640x16xf32, #tpu.memory_space<vmem_shared>>
      tpu.wait_dma2 semaphore(%run_scoped3A : memref<!tpu.dma_semaphore, #tpu.memory_space<semaphore_mem>>) src(%arg11 : memref<640x16xf32, #tpu.memory_space<vmem>>) dst(%dma_wait3A_71 : memref<640x16xf32, #tpu.memory_space<vmem_shared>>)
      tpu.yield
    }) : () -> ()
    %barrier3A = arith.constant 0 : index
    tpu.barrier barrier_id(%barrier3A)
    %dma_start3A_37 = arith.constant 0 : i32
    %dma_start3A_38 = tpu.memref_slice %arg5[%dma_start3A_37] : memref<5120xi32, #tpu.memory_space<vmem>> -> memref<128xi32, #tpu.memory_space<vmem>>
    %dma_start3A_39 = arith.constant 0 : i32
    %dma_start3A_40 = arith.constant 0 : i32
    %dma_start3A_41 = tpu.memref_slice %arg13[%dma_start3A_39, %dma_start3A_40] : memref<10240x16xf32, #tpu.memory_space<vmem_shared>> -> memref<10240x16xf32, #tpu.memory_space<vmem_shared>>
    tpu.enqueue_indirect_dma source(%dma_start3A_41 : memref<10240x16xf32, #tpu.memory_space<vmem_shared>>) target(%arg7 : memref<128x16xf32, #tpu.memory_space<vmem>>) offsets(%dma_start3A_38 : memref<128xi32, #tpu.memory_space<vmem>>) semaphore(%arg14 : memref<!tpu.dma_semaphore, #tpu.memory_space<semaphore_mem>>)
    %dma_start3A_42 = arith.constant 128 : i32
    %dma_start3A_43 = tpu.memref_slice %arg5[%dma_start3A_42] : memref<5120xi32, #tpu.memory_space<vmem>> -> memref<128xi32, #tpu.memory_space<vmem>>
    %dma_start3A_44 = arith.constant 0 : i32
    %dma_start3A_45 = arith.constant 0 : i32
    %dma_start3A_46 = tpu.memref_slice %arg13[%dma_start3A_44, %dma_start3A_45] : memref<10240x16xf32, #tpu.memory_space<vmem_shared>> -> memref<10240x16xf32, #tpu.memory_space<vmem_shared>>
    tpu.enqueue_indirect_dma source(%dma_start3A_46 : memref<10240x16xf32, #tpu.memory_space<vmem_shared>>) target(%arg8 : memref<128x16xf32, #tpu.memory_space<vmem>>) offsets(%dma_start3A_43 : memref<128xi32, #tpu.memory_space<vmem>>) semaphore(%arg15 : memref<!tpu.dma_semaphore, #tpu.memory_space<semaphore_mem>>)
    %scan3A_47 = arith.constant 0 : i32
    %scan3A_48 = arith.constant 0 : i32
    %scan3A_49 = arith.constant 10 : i32
    %scan3A_50 = arith.addi %scan3A_48, %scan3A_49 : i32
    %scan3A_51 = arith.constant 1 : i32
    scf.for %scan3A_64 = %scan3A_48 to %scan3A_50 step %scan3A_51  : i32 {
      %mul3A_65 = arith.constant 4 : i32
      %mul3A_66 = arith.muli %mul3A_65, %scan3A_64 : i32
      %add3A_67 = arith.constant 0 : i32
      %add3A_68 = arith.addi %mul3A_66, %add3A_67 : i32
      %mul3A_69 = arith.constant 128 : i32
      %mul3A_70 = arith.muli %add3A_68, %mul3A_69 : i32
      %dma_wait3A_71 = tpu.memref_slice %arg5[%mul3A_70] : memref<5120xi32, #tpu.memory_space<vmem>> -> memref<128xi32, #tpu.memory_space<vmem>>
      %dma_wait3A_72 = arith.constant 0 : i32
      %dma_wait3A_73 = arith.constant 0 : i32
      %dma_wait3A_74 = tpu.memref_slice %arg13[%dma_wait3A_72, %dma_wait3A_73] : memref<10240x16xf32, #tpu.memory_space<vmem_shared>> -> memref<10240x16xf32, #tpu.memory_space<vmem_shared>>
      tpu.wait_indirect_dma semaphore(%arg14 : memref<!tpu.dma_semaphore, #tpu.memory_space<semaphore_mem>>) src(%dma_wait3A_74 : memref<10240x16xf32, #tpu.memory_space<vmem_shared>>) dst(%arg7 : memref<128x16xf32, #tpu.memory_space<vmem>>)
      %mul3A_75 = arith.constant 128 : i32
      %mul3A_76 = arith.muli %add3A_68, %mul3A_75 : i32
      %dma_start3A_77 = tpu.memref_slice %arg6[%mul3A_76] : memref<5120xi32, #tpu.memory_space<vmem>> -> memref<128xi32, #tpu.memory_space<vmem>>
      %dma_start3A_78 = arith.constant 0 : i32
      %dma_start3A_79 = arith.constant 0 : i32
      %dma_start3A_80 = tpu.memref_slice %arg12[%dma_start3A_78, %dma_start3A_79] : memref<10240x16xf32, #tpu.memory_space<vmem_shared>> -> memref<10240x16xf32, #tpu.memory_space<vmem_shared>>
      tpu.enqueue_indirect_dma source(%arg7 : memref<128x16xf32, #tpu.memory_space<vmem>>) target(%dma_start3A_80 : memref<10240x16xf32, #tpu.memory_space<vmem_shared>>) offsets(%dma_start3A_77 : memref<128xi32, #tpu.memory_space<vmem>>) semaphore(%arg18 : memref<!tpu.dma_semaphore, #tpu.memory_space<semaphore_mem>>) {add = true}
      %ge3A = arith.constant 2 : i32
      %ge3A_81 = arith.cmpi sge, %add3A_68, %ge3A : i32
      %convert_element_type3A = arith.extui %ge3A_81 : i1 to i32
      %cond3A = arith.constant 0 : i32
      %cond3A_82 = arith.cmpi ne, %convert_element_type3A, %cond3A : i32
      scf.if %cond3A_82 {
        %mul3A_173 = arith.constant 128 : i32
        %mul3A_174 = arith.muli %add3A_68, %mul3A_173 : i32
        %dma_wait3A_175 = tpu.memref_slice %arg6[%mul3A_174] : memref<5120xi32, #tpu.memory_space<vmem>> -> memref<128xi32, #tpu.memory_space<vmem>>
        %dma_wait3A_176 = arith.constant 0 : i32
        %dma_wait3A_177 = arith.constant 0 : i32
        %dma_wait3A_178 = tpu.memref_slice %arg12[%dma_wait3A_176, %dma_wait3A_177] : memref<10240x16xf32, #tpu.memory_space<vmem_shared>> -> memref<10240x16xf32, #tpu.memory_space<vmem_shared>>
        tpu.wait_indirect_dma semaphore(%arg20 : memref<!tpu.dma_semaphore, #tpu.memory_space<semaphore_mem>>) src(%arg9 : memref<128x16xf32, #tpu.memory_space<vmem>>) dst(%dma_wait3A_178 : memref<10240x16xf32, #tpu.memory_space<vmem_shared>>)
      } else {
      }
      %add3A_83 = arith.constant 2 : i32
      %add3A_84 = arith.addi %add3A_68, %add3A_83 : i32
      %lt3A = arith.constant 40 : i32
      %lt3A_85 = arith.cmpi slt, %add3A_84, %lt3A : i32
      %convert_element_type3A_86 = arith.extui %lt3A_85 : i1 to i32
      %cond3A_87 = arith.constant 0 : i32
      %cond3A_88 = arith.cmpi ne, %convert_element_type3A_86, %cond3A_87 : i32
      scf.if %cond3A_88 {
        %add3A_173 = arith.constant 2 : i32
        %add3A_174 = arith.addi %add3A_68, %add3A_173 : i32
        %mul3A_175 = arith.constant 128 : i32
        %mul3A_176 = arith.muli %add3A_174, %mul3A_175 : i32
        %dma_start3A_177 = tpu.memref_slice %arg5[%mul3A_176] : memref<5120xi32, #tpu.memory_space<vmem>> -> memref<128xi32, #tpu.memory_space<vmem>>
        %dma_start3A_178 = arith.constant 0 : i32
        %dma_start3A_179 = arith.constant 0 : i32
        %dma_start3A_180 = tpu.memref_slice %arg13[%dma_start3A_178, %dma_start3A_179] : memref<10240x16xf32, #tpu.memory_space<vmem_shared>> -> memref<10240x16xf32, #tpu.memory_space<vmem_shared>>
        tpu.enqueue_indirect_dma source(%dma_start3A_180 : memref<10240x16xf32, #tpu.memory_space<vmem_shared>>) target(%arg9 : memref<128x16xf32, #tpu.memory_space<vmem>>) offsets(%dma_start3A_177 : memref<128xi32, #tpu.memory_space<vmem>>) semaphore(%arg16 : memref<!tpu.dma_semaphore, #tpu.memory_space<semaphore_mem>>)
      } else {
      }
      %mul3A_89 = arith.constant 4 : i32
      %mul3A_90 = arith.muli %mul3A_89, %scan3A_64 : i32
      %add3A_91 = arith.constant 1 : i32
      %add3A_92 = arith.addi %mul3A_90, %add3A_91 : i32
      %mul3A_93 = arith.constant 128 : i32
      %mul3A_94 = arith.muli %add3A_92, %mul3A_93 : i32
      %dma_wait3A_95 = tpu.memref_slice %arg5[%mul3A_94] : memref<5120xi32, #tpu.memory_space<vmem>> -> memref<128xi32, #tpu.memory_space<vmem>>
      %dma_wait3A_96 = arith.constant 0 : i32
      %dma_wait3A_97 = arith.constant 0 : i32
      %dma_wait3A_98 = tpu.memref_slice %arg13[%dma_wait3A_96, %dma_wait3A_97] : memref<10240x16xf32, #tpu.memory_space<vmem_shared>> -> memref<10240x16xf32, #tpu.memory_space<vmem_shared>>
      tpu.wait_indirect_dma semaphore(%arg15 : memref<!tpu.dma_semaphore, #tpu.memory_space<semaphore_mem>>) src(%dma_wait3A_98 : memref<10240x16xf32, #tpu.memory_space<vmem_shared>>) dst(%arg8 : memref<128x16xf32, #tpu.memory_space<vmem>>)
      %mul3A_99 = arith.constant 128 : i32
      %mul3A_100 = arith.muli %add3A_92, %mul3A_99 : i32
      %dma_start3A_101 = tpu.memref_slice %arg6[%mul3A_100] : memref<5120xi32, #tpu.memory_space<vmem>> -> memref<128xi32, #tpu.memory_space<vmem>>
      %dma_start3A_102 = arith.constant 0 : i32
      %dma_start3A_103 = arith.constant 0 : i32
      %dma_start3A_104 = tpu.memref_slice %arg12[%dma_start3A_102, %dma_start3A_103] : memref<10240x16xf32, #tpu.memory_space<vmem_shared>> -> memref<10240x16xf32, #tpu.memory_space<vmem_shared>>
      tpu.enqueue_indirect_dma source(%arg8 : memref<128x16xf32, #tpu.memory_space<vmem>>) target(%dma_start3A_104 : memref<10240x16xf32, #tpu.memory_space<vmem_shared>>) offsets(%dma_start3A_101 : memref<128xi32, #tpu.memory_space<vmem>>) semaphore(%arg19 : memref<!tpu.dma_semaphore, #tpu.memory_space<semaphore_mem>>) {add = true}
      %ge3A_105 = arith.constant 2 : i32
      %ge3A_106 = arith.cmpi sge, %add3A_92, %ge3A_105 : i32
      %convert_element_type3A_107 = arith.extui %ge3A_106 : i1 to i32
      %cond3A_108 = arith.constant 0 : i32
      %cond3A_109 = arith.cmpi ne, %convert_element_type3A_107, %cond3A_108 : i32
      scf.if %cond3A_109 {
        %mul3A_173 = arith.constant 128 : i32
        %mul3A_174 = arith.muli %add3A_92, %mul3A_173 : i32
        %dma_wait3A_175 = tpu.memref_slice %arg6[%mul3A_174] : memref<5120xi32, #tpu.memory_space<vmem>> -> memref<128xi32, #tpu.memory_space<vmem>>
        %dma_wait3A_176 = arith.constant 0 : i32
        %dma_wait3A_177 = arith.constant 0 : i32
        %dma_wait3A_178 = tpu.memref_slice %arg12[%dma_wait3A_176, %dma_wait3A_177] : memref<10240x16xf32, #tpu.memory_space<vmem_shared>> -> memref<10240x16xf32, #tpu.memory_space<vmem_shared>>
        tpu.wait_indirect_dma semaphore(%arg21 : memref<!tpu.dma_semaphore, #tpu.memory_space<semaphore_mem>>) src(%arg10 : memref<128x16xf32, #tpu.memory_space<vmem>>) dst(%dma_wait3A_178 : memref<10240x16xf32, #tpu.memory_space<vmem_shared>>)
      } else {
      }
      %add3A_110 = arith.constant 2 : i32
      %add3A_111 = arith.addi %add3A_92, %add3A_110 : i32
      %lt3A_112 = arith.constant 40 : i32
      %lt3A_113 = arith.cmpi slt, %add3A_111, %lt3A_112 : i32
      %convert_element_type3A_114 = arith.extui %lt3A_113 : i1 to i32
      %cond3A_115 = arith.constant 0 : i32
      %cond3A_116 = arith.cmpi ne, %convert_element_type3A_114, %cond3A_115 : i32
      scf.if %cond3A_116 {
        %add3A_173 = arith.constant 2 : i32
        %add3A_174 = arith.addi %add3A_92, %add3A_173 : i32
        %mul3A_175 = arith.constant 128 : i32
        %mul3A_176 = arith.muli %add3A_174, %mul3A_175 : i32
        %dma_start3A_177 = tpu.memref_slice %arg5[%mul3A_176] : memref<5120xi32, #tpu.memory_space<vmem>> -> memref<128xi32, #tpu.memory_space<vmem>>
        %dma_start3A_178 = arith.constant 0 : i32
        %dma_start3A_179 = arith.constant 0 : i32
        %dma_start3A_180 = tpu.memref_slice %arg13[%dma_start3A_178, %dma_start3A_179] : memref<10240x16xf32, #tpu.memory_space<vmem_shared>> -> memref<10240x16xf32, #tpu.memory_space<vmem_shared>>
        tpu.enqueue_indirect_dma source(%dma_start3A_180 : memref<10240x16xf32, #tpu.memory_space<vmem_shared>>) target(%arg10 : memref<128x16xf32, #tpu.memory_space<vmem>>) offsets(%dma_start3A_177 : memref<128xi32, #tpu.memory_space<vmem>>) semaphore(%arg17 : memref<!tpu.dma_semaphore, #tpu.memory_space<semaphore_mem>>)
      } else {
      }
      %mul3A_117 = arith.constant 4 : i32
      %mul3A_118 = arith.muli %mul3A_117, %scan3A_64 : i32
      %add3A_119 = arith.constant 2 : i32
      %add3A_120 = arith.addi %mul3A_118, %add3A_119 : i32
      %mul3A_121 = arith.constant 128 : i32
      %mul3A_122 = arith.muli %add3A_120, %mul3A_121 : i32
      %dma_wait3A_123 = tpu.memref_slice %arg5[%mul3A_122] : memref<5120xi32, #tpu.memory_space<vmem>> -> memref<128xi32, #tpu.memory_space<vmem>>
      %dma_wait3A_124 = arith.constant 0 : i32
      %dma_wait3A_125 = arith.constant 0 : i32
      %dma_wait3A_126 = tpu.memref_slice %arg13[%dma_wait3A_124, %dma_wait3A_125] : memref<10240x16xf32, #tpu.memory_space<vmem_shared>> -> memref<10240x16xf32, #tpu.memory_space<vmem_shared>>
      tpu.wait_indirect_dma semaphore(%arg16 : memref<!tpu.dma_semaphore, #tpu.memory_space<semaphore_mem>>) src(%dma_wait3A_126 : memref<10240x16xf32, #tpu.memory_space<vmem_shared>>) dst(%arg9 : memref<128x16xf32, #tpu.memory_space<vmem>>)
      %mul3A_127 = arith.constant 128 : i32
      %mul3A_128 = arith.muli %add3A_120, %mul3A_127 : i32
      %dma_start3A_129 = tpu.memref_slice %arg6[%mul3A_128] : memref<5120xi32, #tpu.memory_space<vmem>> -> memref<128xi32, #tpu.memory_space<vmem>>
      %dma_start3A_130 = arith.constant 0 : i32
      %dma_start3A_131 = arith.constant 0 : i32
      %dma_start3A_132 = tpu.memref_slice %arg12[%dma_start3A_130, %dma_start3A_131] : memref<10240x16xf32, #tpu.memory_space<vmem_shared>> -> memref<10240x16xf32, #tpu.memory_space<vmem_shared>>
      tpu.enqueue_indirect_dma source(%arg9 : memref<128x16xf32, #tpu.memory_space<vmem>>) target(%dma_start3A_132 : memref<10240x16xf32, #tpu.memory_space<vmem_shared>>) offsets(%dma_start3A_129 : memref<128xi32, #tpu.memory_space<vmem>>) semaphore(%arg20 : memref<!tpu.dma_semaphore, #tpu.memory_space<semaphore_mem>>) {add = true}
      %ge3A_133 = arith.constant 2 : i32
      %ge3A_134 = arith.cmpi sge, %add3A_120, %ge3A_133 : i32
      %convert_element_type3A_135 = arith.extui %ge3A_134 : i1 to i32
      %cond3A_136 = arith.constant 0 : i32
      %cond3A_137 = arith.cmpi ne, %convert_element_type3A_135, %cond3A_136 : i32
      scf.if %cond3A_137 {
        %mul3A_173 = arith.constant 128 : i32
        %mul3A_174 = arith.muli %add3A_120, %mul3A_173 : i32
        %dma_wait3A_175 = tpu.memref_slice %arg6[%mul3A_174] : memref<5120xi32, #tpu.memory_space<vmem>> -> memref<128xi32, #tpu.memory_space<vmem>>
        %dma_wait3A_176 = arith.constant 0 : i32
        %dma_wait3A_177 = arith.constant 0 : i32
        %dma_wait3A_178 = tpu.memref_slice %arg12[%dma_wait3A_176, %dma_wait3A_177] : memref<10240x16xf32, #tpu.memory_space<vmem_shared>> -> memref<10240x16xf32, #tpu.memory_space<vmem_shared>>
        tpu.wait_indirect_dma semaphore(%arg18 : memref<!tpu.dma_semaphore, #tpu.memory_space<semaphore_mem>>) src(%arg7 : memref<128x16xf32, #tpu.memory_space<vmem>>) dst(%dma_wait3A_178 : memref<10240x16xf32, #tpu.memory_space<vmem_shared>>)
      } else {
      }
      %add3A_138 = arith.constant 2 : i32
      %add3A_139 = arith.addi %add3A_120, %add3A_138 : i32
      %lt3A_140 = arith.constant 40 : i32
      %lt3A_141 = arith.cmpi slt, %add3A_139, %lt3A_140 : i32
      %convert_element_type3A_142 = arith.extui %lt3A_141 : i1 to i32
      %cond3A_143 = arith.constant 0 : i32
      %cond3A_144 = arith.cmpi ne, %convert_element_type3A_142, %cond3A_143 : i32
      scf.if %cond3A_144 {
        %add3A_173 = arith.constant 2 : i32
        %add3A_174 = arith.addi %add3A_120, %add3A_173 : i32
        %mul3A_175 = arith.constant 128 : i32
        %mul3A_176 = arith.muli %add3A_174, %mul3A_175 : i32
        %dma_start3A_177 = tpu.memref_slice %arg5[%mul3A_176] : memref<5120xi32, #tpu.memory_space<vmem>> -> memref<128xi32, #tpu.memory_space<vmem>>
        %dma_start3A_178 = arith.constant 0 : i32
        %dma_start3A_179 = arith.constant 0 : i32
        %dma_start3A_180 = tpu.memref_slice %arg13[%dma_start3A_178, %dma_start3A_179] : memref<10240x16xf32, #tpu.memory_space<vmem_shared>> -> memref<10240x16xf32, #tpu.memory_space<vmem_shared>>
        tpu.enqueue_indirect_dma source(%dma_start3A_180 : memref<10240x16xf32, #tpu.memory_space<vmem_shared>>) target(%arg7 : memref<128x16xf32, #tpu.memory_space<vmem>>) offsets(%dma_start3A_177 : memref<128xi32, #tpu.memory_space<vmem>>) semaphore(%arg14 : memref<!tpu.dma_semaphore, #tpu.memory_space<semaphore_mem>>)
      } else {
      }
      %mul3A_145 = arith.constant 4 : i32
      %mul3A_146 = arith.muli %mul3A_145, %scan3A_64 : i32
      %add3A_147 = arith.constant 3 : i32
      %add3A_148 = arith.addi %mul3A_146, %add3A_147 : i32
      %mul3A_149 = arith.constant 128 : i32
      %mul3A_150 = arith.muli %add3A_148, %mul3A_149 : i32
      %dma_wait3A_151 = tpu.memref_slice %arg5[%mul3A_150] : memref<5120xi32, #tpu.memory_space<vmem>> -> memref<128xi32, #tpu.memory_space<vmem>>
      %dma_wait3A_152 = arith.constant 0 : i32
      %dma_wait3A_153 = arith.constant 0 : i32
      %dma_wait3A_154 = tpu.memref_slice %arg13[%dma_wait3A_152, %dma_wait3A_153] : memref<10240x16xf32, #tpu.memory_space<vmem_shared>> -> memref<10240x16xf32, #tpu.memory_space<vmem_shared>>
      tpu.wait_indirect_dma semaphore(%arg17 : memref<!tpu.dma_semaphore, #tpu.memory_space<semaphore_mem>>) src(%dma_wait3A_154 : memref<10240x16xf32, #tpu.memory_space<vmem_shared>>) dst(%arg10 : memref<128x16xf32, #tpu.memory_space<vmem>>)
      %mul3A_155 = arith.constant 128 : i32
      %mul3A_156 = arith.muli %add3A_148, %mul3A_155 : i32
      %dma_start3A_157 = tpu.memref_slice %arg6[%mul3A_156] : memref<5120xi32, #tpu.memory_space<vmem>> -> memref<128xi32, #tpu.memory_space<vmem>>
      %dma_start3A_158 = arith.constant 0 : i32
      %dma_start3A_159 = arith.constant 0 : i32
      %dma_start3A_160 = tpu.memref_slice %arg12[%dma_start3A_158, %dma_start3A_159] : memref<10240x16xf32, #tpu.memory_space<vmem_shared>> -> memref<10240x16xf32, #tpu.memory_space<vmem_shared>>
      tpu.enqueue_indirect_dma source(%arg10 : memref<128x16xf32, #tpu.memory_space<vmem>>) target(%dma_start3A_160 : memref<10240x16xf32, #tpu.memory_space<vmem_shared>>) offsets(%dma_start3A_157 : memref<128xi32, #tpu.memory_space<vmem>>) semaphore(%arg21 : memref<!tpu.dma_semaphore, #tpu.memory_space<semaphore_mem>>) {add = true}
      %ge3A_161 = arith.constant 2 : i32
      %ge3A_162 = arith.cmpi sge, %add3A_148, %ge3A_161 : i32
      %convert_element_type3A_163 = arith.extui %ge3A_162 : i1 to i32
      %cond3A_164 = arith.constant 0 : i32
      %cond3A_165 = arith.cmpi ne, %convert_element_type3A_163, %cond3A_164 : i32
      scf.if %cond3A_165 {
        %mul3A_173 = arith.constant 128 : i32
        %mul3A_174 = arith.muli %add3A_148, %mul3A_173 : i32
        %dma_wait3A_175 = tpu.memref_slice %arg6[%mul3A_174] : memref<5120xi32, #tpu.memory_space<vmem>> -> memref<128xi32, #tpu.memory_space<vmem>>
        %dma_wait3A_176 = arith.constant 0 : i32
        %dma_wait3A_177 = arith.constant 0 : i32
        %dma_wait3A_178 = tpu.memref_slice %arg12[%dma_wait3A_176, %dma_wait3A_177] : memref<10240x16xf32, #tpu.memory_space<vmem_shared>> -> memref<10240x16xf32, #tpu.memory_space<vmem_shared>>
        tpu.wait_indirect_dma semaphore(%arg19 : memref<!tpu.dma_semaphore, #tpu.memory_space<semaphore_mem>>) src(%arg8 : memref<128x16xf32, #tpu.memory_space<vmem>>) dst(%dma_wait3A_178 : memref<10240x16xf32, #tpu.memory_space<vmem_shared>>)
      } else {
      }
      %add3A_166 = arith.constant 2 : i32
      %add3A_167 = arith.addi %add3A_148, %add3A_166 : i32
      %lt3A_168 = arith.constant 40 : i32
      %lt3A_169 = arith.cmpi slt, %add3A_167, %lt3A_168 : i32
      %convert_element_type3A_170 = arith.extui %lt3A_169 : i1 to i32
      %cond3A_171 = arith.constant 0 : i32
      %cond3A_172 = arith.cmpi ne, %convert_element_type3A_170, %cond3A_171 : i32
      scf.if %cond3A_172 {
        %add3A_173 = arith.constant 2 : i32
        %add3A_174 = arith.addi %add3A_148, %add3A_173 : i32
        %mul3A_175 = arith.constant 128 : i32
        %mul3A_176 = arith.muli %add3A_174, %mul3A_175 : i32
        %dma_start3A_177 = tpu.memref_slice %arg5[%mul3A_176] : memref<5120xi32, #tpu.memory_space<vmem>> -> memref<128xi32, #tpu.memory_space<vmem>>
        %dma_start3A_178 = arith.constant 0 : i32
        %dma_start3A_179 = arith.constant 0 : i32
        %dma_start3A_180 = tpu.memref_slice %arg13[%dma_start3A_178, %dma_start3A_179] : memref<10240x16xf32, #tpu.memory_space<vmem_shared>> -> memref<10240x16xf32, #tpu.memory_space<vmem_shared>>
        tpu.enqueue_indirect_dma source(%dma_start3A_180 : memref<10240x16xf32, #tpu.memory_space<vmem_shared>>) target(%arg8 : memref<128x16xf32, #tpu.memory_space<vmem>>) offsets(%dma_start3A_177 : memref<128xi32, #tpu.memory_space<vmem>>) semaphore(%arg15 : memref<!tpu.dma_semaphore, #tpu.memory_space<semaphore_mem>>)
      } else {
      }
    }
    %scan3A_52 = arith.constant 10 : i32
    %dma_wait3A_53 = arith.constant 0 : i32
    %dma_wait3A_54 = tpu.memref_slice %arg6[%dma_wait3A_53] : memref<5120xi32, #tpu.memory_space<vmem>> -> memref<128xi32, #tpu.memory_space<vmem>>
    %dma_wait3A_55 = arith.constant 0 : i32
    %dma_wait3A_56 = arith.constant 0 : i32
    %dma_wait3A_57 = tpu.memref_slice %arg12[%dma_wait3A_55, %dma_wait3A_56] : memref<10240x16xf32, #tpu.memory_space<vmem_shared>> -> memref<10240x16xf32, #tpu.memory_space<vmem_shared>>
    tpu.wait_indirect_dma semaphore(%arg20 : memref<!tpu.dma_semaphore, #tpu.memory_space<semaphore_mem>>) src(%arg9 : memref<128x16xf32, #tpu.memory_space<vmem>>) dst(%dma_wait3A_57 : memref<10240x16xf32, #tpu.memory_space<vmem_shared>>)
    %dma_wait3A_58 = arith.constant 0 : i32
    %dma_wait3A_59 = tpu.memref_slice %arg6[%dma_wait3A_58] : memref<5120xi32, #tpu.memory_space<vmem>> -> memref<128xi32, #tpu.memory_space<vmem>>
    %dma_wait3A_60 = arith.constant 0 : i32
    %dma_wait3A_61 = arith.constant 0 : i32
    %dma_wait3A_62 = tpu.memref_slice %arg12[%dma_wait3A_60, %dma_wait3A_61] : memref<10240x16xf32, #tpu.memory_space<vmem_shared>> -> memref<10240x16xf32, #tpu.memory_space<vmem_shared>>
    tpu.wait_indirect_dma semaphore(%arg21 : memref<!tpu.dma_semaphore, #tpu.memory_space<semaphore_mem>>) src(%arg10 : memref<128x16xf32, #tpu.memory_space<vmem>>) dst(%dma_wait3A_62 : memref<10240x16xf32, #tpu.memory_space<vmem_shared>>)
    %barrier3A_63 = arith.constant 0 : index
    tpu.barrier barrier_id(%barrier3A_63)
    "tpu.region"() ({
      %run_scoped3A = tpu.sem_alloc : memref<!tpu.dma_semaphore, #tpu.memory_space<semaphore_mem>>
      %dma_start3A_64 = arith.constant 0 : i32
      %dma_start3A_65 = tpu.memref_slice %arg4[%arg0, %mul3A_2, %dma_start3A_64] : memref<2x10240x16xf32, #tpu.memory_space<hbm>> -> memref<1x640x16xf32, #tpu.memory_space<hbm>>
      %dma_start3A_66 = tpu.memref_squeeze %dma_start3A_65 : memref<1x640x16xf32, #tpu.memory_space<hbm>> -> memref<640x16xf32, #tpu.memory_space<hbm>>
      %dma_start3A_67 = arith.constant 0 : i32
      %dma_start3A_68 = tpu.memref_slice %arg12[%mul3A_2, %dma_start3A_67] : memref<10240x16xf32, #tpu.memory_space<vmem_shared>> -> memref<640x16xf32, #tpu.memory_space<vmem_shared>>
      tpu.enqueue_dma source(%dma_start3A_68 : memref<640x16xf32, #tpu.memory_space<vmem_shared>>) target(%dma_start3A_66 : memref<640x16xf32, #tpu.memory_space<hbm>>) target_semaphore(%run_scoped3A : memref<!tpu.dma_semaphore, #tpu.memory_space<semaphore_mem>>)
      %dma_wait3A_69 = arith.constant 0 : i32
      %dma_wait3A_70 = tpu.memref_slice %arg4[%arg0, %mul3A_2, %dma_wait3A_69] : memref<2x10240x16xf32, #tpu.memory_space<hbm>> -> memref<1x640x16xf32, #tpu.memory_space<hbm>>
      %dma_wait3A_71 = tpu.memref_squeeze %dma_wait3A_70 : memref<1x640x16xf32, #tpu.memory_space<hbm>> -> memref<640x16xf32, #tpu.memory_space<hbm>>
      %dma_wait3A_72 = arith.constant 0 : i32
      %dma_wait3A_73 = tpu.memref_slice %arg12[%mul3A_2, %dma_wait3A_72] : memref<10240x16xf32, #tpu.memory_space<vmem_shared>> -> memref<640x16xf32, #tpu.memory_space<vmem_shared>>
      tpu.wait_dma2 semaphore(%run_scoped3A : memref<!tpu.dma_semaphore, #tpu.memory_space<semaphore_mem>>) src(%dma_wait3A_73 : memref<640x16xf32, #tpu.memory_space<vmem_shared>>) dst(%dma_wait3A_71 : memref<640x16xf32, #tpu.memory_space<hbm>>)
      tpu.yield
    }) : () -> ()
    return
  }
}

#map = affine_map<(d0, d1) -> (0, 0, 0)>
#map1 = affine_map<(d0, d1) -> (0)>
#map2 = affine_map<(d0, d1) -> (0, 0)>
module attributes {stable_mosaic.version = 14 : i64} {
  func.func @segsum(%arg0: i32, %arg1: i32, %arg2: memref<2x10240x16xf32, #tpu.memory_space<hbm>>, %arg3: memref<16xf32, #tpu.memory_space<hbm>>, %arg4: memref<2x163840xi32, #tpu.memory_space<hbm>>, %arg5: memref<2x10240x16xf32, #tpu.memory_space<hbm>>, %arg6: memref<5120xi32, #tpu.memory_space<vmem>>, %arg7: memref<5120xi32, #tpu.memory_space<vmem>>, %arg8: memref<128x16xf32, #tpu.memory_space<vmem>>, %arg9: memref<128x16xf32, #tpu.memory_space<vmem>>, %arg10: memref<128x16xf32, #tpu.memory_space<vmem>>, %arg11: memref<128x16xf32, #tpu.memory_space<vmem>>, %arg12: memref<640x16xf32, #tpu.memory_space<vmem>>, %arg13: memref<640x16xf32, #tpu.memory_space<vmem>>, %arg14: memref<640x16xf32, #tpu.memory_space<vmem>>, %arg15: memref<16xf32, #tpu.memory_space<vmem>>, %arg16: memref<10240x16xf32, #tpu.memory_space<vmem_shared>>, %arg17: memref<10240x16xf32, #tpu.memory_space<vmem_shared>>, %arg18: memref<!tpu.dma_semaphore, #tpu.memory_space<semaphore_mem>>, %arg19: memref<!tpu.dma_semaphore, #tpu.memory_space<semaphore_mem>>, %arg20: memref<!tpu.dma_semaphore, #tpu.memory_space<semaphore_mem>>, %arg21: memref<!tpu.dma_semaphore, #tpu.memory_space<semaphore_mem>>, %arg22: memref<!tpu.dma_semaphore, #tpu.memory_space<semaphore_mem>>, %arg23: memref<!tpu.dma_semaphore, #tpu.memory_space<semaphore_mem>>, %arg24: memref<!tpu.dma_semaphore, #tpu.memory_space<semaphore_mem>>, %arg25: memref<!tpu.dma_semaphore, #tpu.memory_space<semaphore_mem>>) attributes {dimension_semantics = [#tpu.dimension_semantics<core_parallel>, #tpu.dimension_semantics<subcore_parallel>], iteration_bounds = array<i64: 2, 16>, scalar_prefetch = 0 : i64, scratch_operands = 20 : i64, tpu.core_type = #tpu.core_type<sc_vector_subcore>, window_params = [{transform_indices = #map}, {transform_indices = #map1}, {transform_indices = #map2}, {transform_indices = #map}]} {
    %mul3A = arith.constant 16 : i32
    %mul3A_0 = arith.muli %arg0, %mul3A : i32
    %add3A = arith.addi %mul3A_0, %arg1 : i32
    %mul3A_1 = arith.constant 640 : i32
    %mul3A_2 = arith.muli %arg1, %mul3A_1 : i32
    %mul3A_3 = arith.constant 5120 : i32
    %mul3A_4 = arith.muli %add3A, %mul3A_3 : i32
    %dma_start3A = arith.constant 0 : i32
    %dma_start3A_5 = tpu.memref_slice %arg4[%dma_start3A, %mul3A_4] : memref<2x163840xi32, #tpu.memory_space<hbm>> -> memref<1x5120xi32, #tpu.memory_space<hbm>>
    %dma_start3A_6 = tpu.memref_squeeze %dma_start3A_5 : memref<1x5120xi32, #tpu.memory_space<hbm>> -> memref<5120xi32, #tpu.memory_space<hbm>>
    %dma_start3A_7 = tpu.memref_slice %arg4[%dma_start3A, %mul3A_4] : memref<2x163840xi32, #tpu.memory_space<hbm>> -> memref<1x5120xi32, #tpu.memory_space<hbm>>
    %dma_start3A_8 = tpu.memref_squeeze %dma_start3A_7 : memref<1x5120xi32, #tpu.memory_space<hbm>> -> memref<5120xi32, #tpu.memory_space<hbm>>
    tpu.enqueue_dma source(%dma_start3A_8 : memref<5120xi32, #tpu.memory_space<hbm>>) target(%arg6 : memref<5120xi32, #tpu.memory_space<vmem>>) target_semaphore(%arg18 : memref<!tpu.dma_semaphore, #tpu.memory_space<semaphore_mem>>)
    %dma_start3A_9 = arith.constant 1 : i32
    %dma_start3A_10 = tpu.memref_slice %arg4[%dma_start3A_9, %mul3A_4] : memref<2x163840xi32, #tpu.memory_space<hbm>> -> memref<1x5120xi32, #tpu.memory_space<hbm>>
    %dma_start3A_11 = tpu.memref_squeeze %dma_start3A_10 : memref<1x5120xi32, #tpu.memory_space<hbm>> -> memref<5120xi32, #tpu.memory_space<hbm>>
    %dma_start3A_12 = tpu.memref_slice %arg4[%dma_start3A_9, %mul3A_4] : memref<2x163840xi32, #tpu.memory_space<hbm>> -> memref<1x5120xi32, #tpu.memory_space<hbm>>
    %dma_start3A_13 = tpu.memref_squeeze %dma_start3A_12 : memref<1x5120xi32, #tpu.memory_space<hbm>> -> memref<5120xi32, #tpu.memory_space<hbm>>
    tpu.enqueue_dma source(%dma_start3A_13 : memref<5120xi32, #tpu.memory_space<hbm>>) target(%arg7 : memref<5120xi32, #tpu.memory_space<vmem>>) target_semaphore(%arg19 : memref<!tpu.dma_semaphore, #tpu.memory_space<semaphore_mem>>)
    %dma_start3A_14 = arith.constant 0 : i32
    %dma_start3A_15 = arith.constant 0 : i32
    %dma_start3A_16 = tpu.memref_slice %arg2[%dma_start3A_14, %mul3A_2, %dma_start3A_15] : memref<2x10240x16xf32, #tpu.memory_space<hbm>> -> memref<1x640x16xf32, #tpu.memory_space<hbm>>
    %dma_start3A_17 = tpu.memref_squeeze %dma_start3A_16 : memref<1x640x16xf32, #tpu.memory_space<hbm>> -> memref<640x16xf32, #tpu.memory_space<hbm>>
    %dma_start3A_18 = arith.constant 0 : i32
    %dma_start3A_19 = tpu.memref_slice %arg2[%dma_start3A_14, %mul3A_2, %dma_start3A_18] : memref<2x10240x16xf32, #tpu.memory_space<hbm>> -> memref<1x640x16xf32, #tpu.memory_space<hbm>>
    %dma_start3A_20 = tpu.memref_squeeze %dma_start3A_19 : memref<1x640x16xf32, #tpu.memory_space<hbm>> -> memref<640x16xf32, #tpu.memory_space<hbm>>
    tpu.enqueue_dma source(%dma_start3A_20 : memref<640x16xf32, #tpu.memory_space<hbm>>) target(%arg13 : memref<640x16xf32, #tpu.memory_space<vmem>>) target_semaphore(%arg20 : memref<!tpu.dma_semaphore, #tpu.memory_space<semaphore_mem>>)
    %dma_start3A_21 = arith.constant 1 : i32
    %dma_start3A_22 = arith.constant 0 : i32
    %dma_start3A_23 = tpu.memref_slice %arg2[%dma_start3A_21, %mul3A_2, %dma_start3A_22] : memref<2x10240x16xf32, #tpu.memory_space<hbm>> -> memref<1x640x16xf32, #tpu.memory_space<hbm>>
    %dma_start3A_24 = tpu.memref_squeeze %dma_start3A_23 : memref<1x640x16xf32, #tpu.memory_space<hbm>> -> memref<640x16xf32, #tpu.memory_space<hbm>>
    %dma_start3A_25 = arith.constant 0 : i32
    %dma_start3A_26 = tpu.memref_slice %arg2[%dma_start3A_21, %mul3A_2, %dma_start3A_25] : memref<2x10240x16xf32, #tpu.memory_space<hbm>> -> memref<1x640x16xf32, #tpu.memory_space<hbm>>
    %dma_start3A_27 = tpu.memref_squeeze %dma_start3A_26 : memref<1x640x16xf32, #tpu.memory_space<hbm>> -> memref<640x16xf32, #tpu.memory_space<hbm>>
    tpu.enqueue_dma source(%dma_start3A_27 : memref<640x16xf32, #tpu.memory_space<hbm>>) target(%arg14 : memref<640x16xf32, #tpu.memory_space<vmem>>) target_semaphore(%arg21 : memref<!tpu.dma_semaphore, #tpu.memory_space<semaphore_mem>>)
    tpu.enqueue_dma source(%arg3 : memref<16xf32, #tpu.memory_space<hbm>>) target(%arg15 : memref<16xf32, #tpu.memory_space<vmem>>) target_semaphore(%arg22 : memref<!tpu.dma_semaphore, #tpu.memory_space<semaphore_mem>>)
    %broadcast_in_dim3A = arith.constant 0.000000e+00 : f32
    %broadcast_in_dim3A_28 = vector.broadcast %broadcast_in_dim3A : f32 to vector<16xf32>
    %scan3A = arith.constant 0 : i32
    %scan3A_29 = arith.constant 0 : i32
    %scan3A_30 = arith.constant 640 : i32
    %scan3A_31 = arith.addi %scan3A_29, %scan3A_30 : i32
    %scan3A_32 = arith.constant 1 : i32
    scf.for %scan3A_92 = %scan3A_29 to %scan3A_31 step %scan3A_32  : i32 {
      %swap3A = arith.index_cast %scan3A_92 : i32 to index
      %swap3A_93 = arith.constant 0 : index
      %swap3A_94 = tpu.vector_load %arg12[%swap3A, %swap3A_93] {strides = array<i32>} : memref<640x16xf32, #tpu.memory_space<vmem>>, vector<1x16xf32>,
      %swap3A_95 = vector.shape_cast %swap3A_94 : vector<1x16xf32> to vector<16xf32>
      %swap3A_96 = vector.shape_cast %broadcast_in_dim3A_28 : vector<16xf32> to vector<1x16xf32>
      tpu.vector_store %arg12[%swap3A, %swap3A_93], %swap3A_96 {strides = array<i32>} : memref<640x16xf32, #tpu.memory_space<vmem>>, vector<1x16xf32>,
    }
    %scan3A_33 = arith.constant 640 : i32
    %dma_wait3A = arith.constant 0 : i32
    %dma_wait3A_34 = arith.constant 0 : i32
    %dma_wait3A_35 = tpu.memref_slice %arg2[%dma_wait3A, %mul3A_2, %dma_wait3A_34] : memref<2x10240x16xf32, #tpu.memory_space<hbm>> -> memref<1x640x16xf32, #tpu.memory_space<hbm>>
    %dma_wait3A_36 = tpu.memref_squeeze %dma_wait3A_35 : memref<1x640x16xf32, #tpu.memory_space<hbm>> -> memref<640x16xf32, #tpu.memory_space<hbm>>
    %dma_wait3A_37 = arith.constant 0 : i32
    %dma_wait3A_38 = tpu.memref_slice %arg2[%dma_wait3A, %mul3A_2, %dma_wait3A_37] : memref<2x10240x16xf32, #tpu.memory_space<hbm>> -> memref<1x640x16xf32, #tpu.memory_space<hbm>>
    %dma_wait3A_39 = tpu.memref_squeeze %dma_wait3A_38 : memref<1x640x16xf32, #tpu.memory_space<hbm>> -> memref<640x16xf32, #tpu.memory_space<hbm>>
    tpu.wait_dma2 semaphore(%arg20 : memref<!tpu.dma_semaphore, #tpu.memory_space<semaphore_mem>>) src(%dma_wait3A_39 : memref<640x16xf32, #tpu.memory_space<hbm>>) dst(%arg13 : memref<640x16xf32, #tpu.memory_space<vmem>>)
    %dma_wait3A_40 = arith.constant 1 : i32
    %dma_wait3A_41 = arith.constant 0 : i32
    %dma_wait3A_42 = tpu.memref_slice %arg2[%dma_wait3A_40, %mul3A_2, %dma_wait3A_41] : memref<2x10240x16xf32, #tpu.memory_space<hbm>> -> memref<1x640x16xf32, #tpu.memory_space<hbm>>
    %dma_wait3A_43 = tpu.memref_squeeze %dma_wait3A_42 : memref<1x640x16xf32, #tpu.memory_space<hbm>> -> memref<640x16xf32, #tpu.memory_space<hbm>>
    %dma_wait3A_44 = arith.constant 0 : i32
    %dma_wait3A_45 = tpu.memref_slice %arg2[%dma_wait3A_40, %mul3A_2, %dma_wait3A_44] : memref<2x10240x16xf32, #tpu.memory_space<hbm>> -> memref<1x640x16xf32, #tpu.memory_space<hbm>>
    %dma_wait3A_46 = tpu.memref_squeeze %dma_wait3A_45 : memref<1x640x16xf32, #tpu.memory_space<hbm>> -> memref<640x16xf32, #tpu.memory_space<hbm>>
    tpu.wait_dma2 semaphore(%arg21 : memref<!tpu.dma_semaphore, #tpu.memory_space<semaphore_mem>>) src(%dma_wait3A_46 : memref<640x16xf32, #tpu.memory_space<hbm>>) dst(%arg14 : memref<640x16xf32, #tpu.memory_space<vmem>>)
    tpu.wait_dma2 semaphore(%arg22 : memref<!tpu.dma_semaphore, #tpu.memory_space<semaphore_mem>>) src(%arg3 : memref<16xf32, #tpu.memory_space<hbm>>) dst(%arg15 : memref<16xf32, #tpu.memory_space<vmem>>)
    %get3A = arith.constant 0 : index
    %get3A_47 = tpu.vector_load %arg15[%get3A] {strides = array<i32>} : memref<16xf32, #tpu.memory_space<vmem>>, vector<16xf32>,
    %get3A_48 = vector.shape_cast %get3A_47 : vector<16xf32> to vector<16xf32>
    %scan3A_49 = arith.constant 0 : i32
    %scan3A_50 = arith.constant 0 : i32
    %scan3A_51 = arith.constant 640 : i32
    %scan3A_52 = arith.addi %scan3A_50, %scan3A_51 : i32
    %scan3A_53 = arith.constant 1 : i32
    scf.for %scan3A_92 = %scan3A_50 to %scan3A_52 step %scan3A_53  : i32 {
      %get3A_93 = arith.index_cast %scan3A_92 : i32 to index
      %get3A_94 = arith.constant 0 : index
      %get3A_95 = tpu.vector_load %arg13[%get3A_93, %get3A_94] {strides = array<i32>} : memref<640x16xf32, #tpu.memory_space<vmem>>, vector<1x16xf32>,
      %get3A_96 = vector.shape_cast %get3A_95 : vector<1x16xf32> to vector<16xf32>
      %get3A_97 = arith.index_cast %scan3A_92 : i32 to index
      %get3A_98 = arith.constant 0 : index
      %get3A_99 = tpu.vector_load %arg14[%get3A_97, %get3A_98] {strides = array<i32>} : memref<640x16xf32, #tpu.memory_space<vmem>>, vector<1x16xf32>,
      %get3A_100 = vector.shape_cast %get3A_99 : vector<1x16xf32> to vector<16xf32>
      %add3A_101 = arith.addf %get3A_96, %get3A_100 : vector<16xf32>
      %add3A_102 = arith.addf %add3A_101, %get3A_48 : vector<16xf32>
      %max3A = arith.constant 0.000000e+00 : f32
      %max3A_103 = vector.broadcast %max3A : f32 to vector<16xf32>
      %max3A_104 = arith.maximumf %add3A_102, %max3A_103 : vector<16xf32>
      %swap3A = arith.index_cast %scan3A_92 : i32 to index
      %swap3A_105 = arith.constant 0 : index
      %swap3A_106 = tpu.vector_load %arg13[%swap3A, %swap3A_105] {strides = array<i32>} : memref<640x16xf32, #tpu.memory_space<vmem>>, vector<1x16xf32>,
      %swap3A_107 = vector.shape_cast %swap3A_106 : vector<1x16xf32> to vector<16xf32>
      %swap3A_108 = vector.shape_cast %max3A_104 : vector<16xf32> to vector<1x16xf32>
      tpu.vector_store %arg13[%swap3A, %swap3A_105], %swap3A_108 {strides = array<i32>} : memref<640x16xf32, #tpu.memory_space<vmem>>, vector<1x16xf32>,
    }
    %scan3A_54 = arith.constant 640 : i32
    "tpu.region"() ({
      %run_scoped3A = tpu.sem_alloc : memref<!tpu.dma_semaphore, #tpu.memory_space<semaphore_mem>>
      %dma_start3A_92 = arith.constant 0 : i32
      %dma_start3A_93 = tpu.memref_slice %arg17[%mul3A_2, %dma_start3A_92] : memref<10240x16xf32, #tpu.memory_space<vmem_shared>> -> memref<640x16xf32, #tpu.memory_space<vmem_shared>>
      %dma_start3A_94 = arith.constant 0 : i32
      %dma_start3A_95 = tpu.memref_slice %arg17[%mul3A_2, %dma_start3A_94] : memref<10240x16xf32, #tpu.memory_space<vmem_shared>> -> memref<640x16xf32, #tpu.memory_space<vmem_shared>>
      tpu.enqueue_dma source(%arg13 : memref<640x16xf32, #tpu.memory_space<vmem>>) target(%dma_start3A_95 : memref<640x16xf32, #tpu.memory_space<vmem_shared>>) target_semaphore(%run_scoped3A : memref<!tpu.dma_semaphore, #tpu.memory_space<semaphore_mem>>)
      %dma_wait3A_96 = arith.constant 0 : i32
      %dma_wait3A_97 = tpu.memref_slice %arg17[%mul3A_2, %dma_wait3A_96] : memref<10240x16xf32, #tpu.memory_space<vmem_shared>> -> memref<640x16xf32, #tpu.memory_space<vmem_shared>>
      %dma_wait3A_98 = arith.constant 0 : i32
      %dma_wait3A_99 = tpu.memref_slice %arg17[%mul3A_2, %dma_wait3A_98] : memref<10240x16xf32, #tpu.memory_space<vmem_shared>> -> memref<640x16xf32, #tpu.memory_space<vmem_shared>>
      tpu.wait_dma2 semaphore(%run_scoped3A : memref<!tpu.dma_semaphore, #tpu.memory_space<semaphore_mem>>) src(%arg13 : memref<640x16xf32, #tpu.memory_space<vmem>>) dst(%dma_wait3A_99 : memref<640x16xf32, #tpu.memory_space<vmem_shared>>)
      tpu.yield
    }) : () -> ()
    %dma_wait3A_55 = arith.constant 0 : i32
    %dma_wait3A_56 = tpu.memref_slice %arg4[%dma_wait3A_55, %mul3A_4] : memref<2x163840xi32, #tpu.memory_space<hbm>> -> memref<1x5120xi32, #tpu.memory_space<hbm>>
    %dma_wait3A_57 = tpu.memref_squeeze %dma_wait3A_56 : memref<1x5120xi32, #tpu.memory_space<hbm>> -> memref<5120xi32, #tpu.memory_space<hbm>>
    %dma_wait3A_58 = tpu.memref_slice %arg4[%dma_wait3A_55, %mul3A_4] : memref<2x163840xi32, #tpu.memory_space<hbm>> -> memref<1x5120xi32, #tpu.memory_space<hbm>>
    %dma_wait3A_59 = tpu.memref_squeeze %dma_wait3A_58 : memref<1x5120xi32, #tpu.memory_space<hbm>> -> memref<5120xi32, #tpu.memory_space<hbm>>
    tpu.wait_dma2 semaphore(%arg18 : memref<!tpu.dma_semaphore, #tpu.memory_space<semaphore_mem>>) src(%dma_wait3A_59 : memref<5120xi32, #tpu.memory_space<hbm>>) dst(%arg6 : memref<5120xi32, #tpu.memory_space<vmem>>)
    %dma_wait3A_60 = arith.constant 1 : i32
    %dma_wait3A_61 = tpu.memref_slice %arg4[%dma_wait3A_60, %mul3A_4] : memref<2x163840xi32, #tpu.memory_space<hbm>> -> memref<1x5120xi32, #tpu.memory_space<hbm>>
    %dma_wait3A_62 = tpu.memref_squeeze %dma_wait3A_61 : memref<1x5120xi32, #tpu.memory_space<hbm>> -> memref<5120xi32, #tpu.memory_space<hbm>>
    %dma_wait3A_63 = tpu.memref_slice %arg4[%dma_wait3A_60, %mul3A_4] : memref<2x163840xi32, #tpu.memory_space<hbm>> -> memref<1x5120xi32, #tpu.memory_space<hbm>>
    %dma_wait3A_64 = tpu.memref_squeeze %dma_wait3A_63 : memref<1x5120xi32, #tpu.memory_space<hbm>> -> memref<5120xi32, #tpu.memory_space<hbm>>
    tpu.wait_dma2 semaphore(%arg19 : memref<!tpu.dma_semaphore, #tpu.memory_space<semaphore_mem>>) src(%dma_wait3A_64 : memref<5120xi32, #tpu.memory_space<hbm>>) dst(%arg7 : memref<5120xi32, #tpu.memory_space<vmem>>)
    "tpu.region"() ({
      %run_scoped3A = tpu.sem_alloc : memref<!tpu.dma_semaphore, #tpu.memory_space<semaphore_mem>>
      %dma_start3A_92 = arith.constant 0 : i32
      %dma_start3A_93 = tpu.memref_slice %arg16[%mul3A_2, %dma_start3A_92] : memref<10240x16xf32, #tpu.memory_space<vmem_shared>> -> memref<640x16xf32, #tpu.memory_space<vmem_shared>>
      %dma_start3A_94 = arith.constant 0 : i32
      %dma_start3A_95 = tpu.memref_slice %arg16[%mul3A_2, %dma_start3A_94] : memref<10240x16xf32, #tpu.memory_space<vmem_shared>> -> memref<640x16xf32, #tpu.memory_space<vmem_shared>>
      tpu.enqueue_dma source(%arg12 : memref<640x16xf32, #tpu.memory_space<vmem>>) target(%dma_start3A_95 : memref<640x16xf32, #tpu.memory_space<vmem_shared>>) target_semaphore(%run_scoped3A : memref<!tpu.dma_semaphore, #tpu.memory_space<semaphore_mem>>)
      %dma_wait3A_96 = arith.constant 0 : i32
      %dma_wait3A_97 = tpu.memref_slice %arg16[%mul3A_2, %dma_wait3A_96] : memref<10240x16xf32, #tpu.memory_space<vmem_shared>> -> memref<640x16xf32, #tpu.memory_space<vmem_shared>>
      %dma_wait3A_98 = arith.constant 0 : i32
      %dma_wait3A_99 = tpu.memref_slice %arg16[%mul3A_2, %dma_wait3A_98] : memref<10240x16xf32, #tpu.memory_space<vmem_shared>> -> memref<640x16xf32, #tpu.memory_space<vmem_shared>>
      tpu.wait_dma2 semaphore(%run_scoped3A : memref<!tpu.dma_semaphore, #tpu.memory_space<semaphore_mem>>) src(%arg12 : memref<640x16xf32, #tpu.memory_space<vmem>>) dst(%dma_wait3A_99 : memref<640x16xf32, #tpu.memory_space<vmem_shared>>)
      tpu.yield
    }) : () -> ()
    %barrier3A = arith.constant 0 : index
    tpu.barrier barrier_id(%barrier3A)
    %dma_start3A_65 = arith.constant 0 : i32
    %dma_start3A_66 = tpu.memref_slice %arg6[%dma_start3A_65] : memref<5120xi32, #tpu.memory_space<vmem>> -> memref<128xi32, #tpu.memory_space<vmem>>
    %dma_start3A_67 = arith.constant 0 : i32
    %dma_start3A_68 = arith.constant 0 : i32
    %dma_start3A_69 = tpu.memref_slice %arg17[%dma_start3A_67, %dma_start3A_68] : memref<10240x16xf32, #tpu.memory_space<vmem_shared>> -> memref<10240x16xf32, #tpu.memory_space<vmem_shared>>
    tpu.enqueue_indirect_dma source(%dma_start3A_69 : memref<10240x16xf32, #tpu.memory_space<vmem_shared>>) target(%arg8 : memref<128x16xf32, #tpu.memory_space<vmem>>) offsets(%dma_start3A_66 : memref<128xi32, #tpu.memory_space<vmem>>) semaphore(%arg18 : memref<!tpu.dma_semaphore, #tpu.memory_space<semaphore_mem>>)
    %dma_start3A_70 = arith.constant 128 : i32
    %dma_start3A_71 = tpu.memref_slice %arg6[%dma_start3A_70] : memref<5120xi32, #tpu.memory_space<vmem>> -> memref<128xi32, #tpu.memory_space<vmem>>
    %dma_start3A_72 = arith.constant 0 : i32
    %dma_start3A_73 = arith.constant 0 : i32
    %dma_start3A_74 = tpu.memref_slice %arg17[%dma_start3A_72, %dma_start3A_73] : memref<10240x16xf32, #tpu.memory_space<vmem_shared>> -> memref<10240x16xf32, #tpu.memory_space<vmem_shared>>
    tpu.enqueue_indirect_dma source(%dma_start3A_74 : memref<10240x16xf32, #tpu.memory_space<vmem_shared>>) target(%arg9 : memref<128x16xf32, #tpu.memory_space<vmem>>) offsets(%dma_start3A_71 : memref<128xi32, #tpu.memory_space<vmem>>) semaphore(%arg19 : memref<!tpu.dma_semaphore, #tpu.memory_space<semaphore_mem>>)
    %scan3A_75 = arith.constant 0 : i32
    %scan3A_76 = arith.constant 0 : i32
    %scan3A_77 = arith.constant 10 : i32
    %scan3A_78 = arith.addi %scan3A_76, %scan3A_77 : i32
    %scan3A_79 = arith.constant 1 : i32
    scf.for %scan3A_92 = %scan3A_76 to %scan3A_78 step %scan3A_79  : i32 {
      %mul3A_93 = arith.constant 4 : i32
      %mul3A_94 = arith.muli %mul3A_93, %scan3A_92 : i32
      %add3A_95 = arith.constant 0 : i32
      %add3A_96 = arith.addi %mul3A_94, %add3A_95 : i32
      %mul3A_97 = arith.constant 128 : i32
      %mul3A_98 = arith.muli %add3A_96, %mul3A_97 : i32
      %dma_wait3A_99 = tpu.memref_slice %arg6[%mul3A_98] : memref<5120xi32, #tpu.memory_space<vmem>> -> memref<128xi32, #tpu.memory_space<vmem>>
      %dma_wait3A_100 = arith.constant 0 : i32
      %dma_wait3A_101 = arith.constant 0 : i32
      %dma_wait3A_102 = tpu.memref_slice %arg17[%dma_wait3A_100, %dma_wait3A_101] : memref<10240x16xf32, #tpu.memory_space<vmem_shared>> -> memref<10240x16xf32, #tpu.memory_space<vmem_shared>>
      tpu.wait_indirect_dma semaphore(%arg18 : memref<!tpu.dma_semaphore, #tpu.memory_space<semaphore_mem>>) src(%dma_wait3A_102 : memref<10240x16xf32, #tpu.memory_space<vmem_shared>>) dst(%arg8 : memref<128x16xf32, #tpu.memory_space<vmem>>)
      %mul3A_103 = arith.constant 128 : i32
      %mul3A_104 = arith.muli %add3A_96, %mul3A_103 : i32
      %dma_start3A_105 = tpu.memref_slice %arg7[%mul3A_104] : memref<5120xi32, #tpu.memory_space<vmem>> -> memref<128xi32, #tpu.memory_space<vmem>>
      %dma_start3A_106 = arith.constant 0 : i32
      %dma_start3A_107 = arith.constant 0 : i32
      %dma_start3A_108 = tpu.memref_slice %arg16[%dma_start3A_106, %dma_start3A_107] : memref<10240x16xf32, #tpu.memory_space<vmem_shared>> -> memref<10240x16xf32, #tpu.memory_space<vmem_shared>>
      tpu.enqueue_indirect_dma source(%arg8 : memref<128x16xf32, #tpu.memory_space<vmem>>) target(%dma_start3A_108 : memref<10240x16xf32, #tpu.memory_space<vmem_shared>>) offsets(%dma_start3A_105 : memref<128xi32, #tpu.memory_space<vmem>>) semaphore(%arg22 : memref<!tpu.dma_semaphore, #tpu.memory_space<semaphore_mem>>) {add = true}
      %ge3A = arith.constant 2 : i32
      %ge3A_109 = arith.cmpi sge, %add3A_96, %ge3A : i32
      %convert_element_type3A = arith.extui %ge3A_109 : i1 to i32
      %cond3A = arith.constant 0 : i32
      %cond3A_110 = arith.cmpi ne, %convert_element_type3A, %cond3A : i32
      scf.if %cond3A_110 {
        %mul3A_201 = arith.constant 128 : i32
        %mul3A_202 = arith.muli %add3A_96, %mul3A_201 : i32
        %dma_wait3A_203 = tpu.memref_slice %arg7[%mul3A_202] : memref<5120xi32, #tpu.memory_space<vmem>> -> memref<128xi32, #tpu.memory_space<vmem>>
        %dma_wait3A_204 = arith.constant 0 : i32
        %dma_wait3A_205 = arith.constant 0 : i32
        %dma_wait3A_206 = tpu.memref_slice %arg16[%dma_wait3A_204, %dma_wait3A_205] : memref<10240x16xf32, #tpu.memory_space<vmem_shared>> -> memref<10240x16xf32, #tpu.memory_space<vmem_shared>>
        tpu.wait_indirect_dma semaphore(%arg24 : memref<!tpu.dma_semaphore, #tpu.memory_space<semaphore_mem>>) src(%arg10 : memref<128x16xf32, #tpu.memory_space<vmem>>) dst(%dma_wait3A_206 : memref<10240x16xf32, #tpu.memory_space<vmem_shared>>)
      } else {
      }
      %add3A_111 = arith.constant 2 : i32
      %add3A_112 = arith.addi %add3A_96, %add3A_111 : i32
      %lt3A = arith.constant 40 : i32
      %lt3A_113 = arith.cmpi slt, %add3A_112, %lt3A : i32
      %convert_element_type3A_114 = arith.extui %lt3A_113 : i1 to i32
      %cond3A_115 = arith.constant 0 : i32
      %cond3A_116 = arith.cmpi ne, %convert_element_type3A_114, %cond3A_115 : i32
      scf.if %cond3A_116 {
        %add3A_201 = arith.constant 2 : i32
        %add3A_202 = arith.addi %add3A_96, %add3A_201 : i32
        %mul3A_203 = arith.constant 128 : i32
        %mul3A_204 = arith.muli %add3A_202, %mul3A_203 : i32
        %dma_start3A_205 = tpu.memref_slice %arg6[%mul3A_204] : memref<5120xi32, #tpu.memory_space<vmem>> -> memref<128xi32, #tpu.memory_space<vmem>>
        %dma_start3A_206 = arith.constant 0 : i32
        %dma_start3A_207 = arith.constant 0 : i32
        %dma_start3A_208 = tpu.memref_slice %arg17[%dma_start3A_206, %dma_start3A_207] : memref<10240x16xf32, #tpu.memory_space<vmem_shared>> -> memref<10240x16xf32, #tpu.memory_space<vmem_shared>>
        tpu.enqueue_indirect_dma source(%dma_start3A_208 : memref<10240x16xf32, #tpu.memory_space<vmem_shared>>) target(%arg10 : memref<128x16xf32, #tpu.memory_space<vmem>>) offsets(%dma_start3A_205 : memref<128xi32, #tpu.memory_space<vmem>>) semaphore(%arg20 : memref<!tpu.dma_semaphore, #tpu.memory_space<semaphore_mem>>)
      } else {
      }
      %mul3A_117 = arith.constant 4 : i32
      %mul3A_118 = arith.muli %mul3A_117, %scan3A_92 : i32
      %add3A_119 = arith.constant 1 : i32
      %add3A_120 = arith.addi %mul3A_118, %add3A_119 : i32
      %mul3A_121 = arith.constant 128 : i32
      %mul3A_122 = arith.muli %add3A_120, %mul3A_121 : i32
      %dma_wait3A_123 = tpu.memref_slice %arg6[%mul3A_122] : memref<5120xi32, #tpu.memory_space<vmem>> -> memref<128xi32, #tpu.memory_space<vmem>>
      %dma_wait3A_124 = arith.constant 0 : i32
      %dma_wait3A_125 = arith.constant 0 : i32
      %dma_wait3A_126 = tpu.memref_slice %arg17[%dma_wait3A_124, %dma_wait3A_125] : memref<10240x16xf32, #tpu.memory_space<vmem_shared>> -> memref<10240x16xf32, #tpu.memory_space<vmem_shared>>
      tpu.wait_indirect_dma semaphore(%arg19 : memref<!tpu.dma_semaphore, #tpu.memory_space<semaphore_mem>>) src(%dma_wait3A_126 : memref<10240x16xf32, #tpu.memory_space<vmem_shared>>) dst(%arg9 : memref<128x16xf32, #tpu.memory_space<vmem>>)
      %mul3A_127 = arith.constant 128 : i32
      %mul3A_128 = arith.muli %add3A_120, %mul3A_127 : i32
      %dma_start3A_129 = tpu.memref_slice %arg7[%mul3A_128] : memref<5120xi32, #tpu.memory_space<vmem>> -> memref<128xi32, #tpu.memory_space<vmem>>
      %dma_start3A_130 = arith.constant 0 : i32
      %dma_start3A_131 = arith.constant 0 : i32
      %dma_start3A_132 = tpu.memref_slice %arg16[%dma_start3A_130, %dma_start3A_131] : memref<10240x16xf32, #tpu.memory_space<vmem_shared>> -> memref<10240x16xf32, #tpu.memory_space<vmem_shared>>
      tpu.enqueue_indirect_dma source(%arg9 : memref<128x16xf32, #tpu.memory_space<vmem>>) target(%dma_start3A_132 : memref<10240x16xf32, #tpu.memory_space<vmem_shared>>) offsets(%dma_start3A_129 : memref<128xi32, #tpu.memory_space<vmem>>) semaphore(%arg23 : memref<!tpu.dma_semaphore, #tpu.memory_space<semaphore_mem>>) {add = true}
      %ge3A_133 = arith.constant 2 : i32
      %ge3A_134 = arith.cmpi sge, %add3A_120, %ge3A_133 : i32
      %convert_element_type3A_135 = arith.extui %ge3A_134 : i1 to i32
      %cond3A_136 = arith.constant 0 : i32
      %cond3A_137 = arith.cmpi ne, %convert_element_type3A_135, %cond3A_136 : i32
      scf.if %cond3A_137 {
        %mul3A_201 = arith.constant 128 : i32
        %mul3A_202 = arith.muli %add3A_120, %mul3A_201 : i32
        %dma_wait3A_203 = tpu.memref_slice %arg7[%mul3A_202] : memref<5120xi32, #tpu.memory_space<vmem>> -> memref<128xi32, #tpu.memory_space<vmem>>
        %dma_wait3A_204 = arith.constant 0 : i32
        %dma_wait3A_205 = arith.constant 0 : i32
        %dma_wait3A_206 = tpu.memref_slice %arg16[%dma_wait3A_204, %dma_wait3A_205] : memref<10240x16xf32, #tpu.memory_space<vmem_shared>> -> memref<10240x16xf32, #tpu.memory_space<vmem_shared>>
        tpu.wait_indirect_dma semaphore(%arg25 : memref<!tpu.dma_semaphore, #tpu.memory_space<semaphore_mem>>) src(%arg11 : memref<128x16xf32, #tpu.memory_space<vmem>>) dst(%dma_wait3A_206 : memref<10240x16xf32, #tpu.memory_space<vmem_shared>>)
      } else {
      }
      %add3A_138 = arith.constant 2 : i32
      %add3A_139 = arith.addi %add3A_120, %add3A_138 : i32
      %lt3A_140 = arith.constant 40 : i32
      %lt3A_141 = arith.cmpi slt, %add3A_139, %lt3A_140 : i32
      %convert_element_type3A_142 = arith.extui %lt3A_141 : i1 to i32
      %cond3A_143 = arith.constant 0 : i32
      %cond3A_144 = arith.cmpi ne, %convert_element_type3A_142, %cond3A_143 : i32
      scf.if %cond3A_144 {
        %add3A_201 = arith.constant 2 : i32
        %add3A_202 = arith.addi %add3A_120, %add3A_201 : i32
        %mul3A_203 = arith.constant 128 : i32
        %mul3A_204 = arith.muli %add3A_202, %mul3A_203 : i32
        %dma_start3A_205 = tpu.memref_slice %arg6[%mul3A_204] : memref<5120xi32, #tpu.memory_space<vmem>> -> memref<128xi32, #tpu.memory_space<vmem>>
        %dma_start3A_206 = arith.constant 0 : i32
        %dma_start3A_207 = arith.constant 0 : i32
        %dma_start3A_208 = tpu.memref_slice %arg17[%dma_start3A_206, %dma_start3A_207] : memref<10240x16xf32, #tpu.memory_space<vmem_shared>> -> memref<10240x16xf32, #tpu.memory_space<vmem_shared>>
        tpu.enqueue_indirect_dma source(%dma_start3A_208 : memref<10240x16xf32, #tpu.memory_space<vmem_shared>>) target(%arg11 : memref<128x16xf32, #tpu.memory_space<vmem>>) offsets(%dma_start3A_205 : memref<128xi32, #tpu.memory_space<vmem>>) semaphore(%arg21 : memref<!tpu.dma_semaphore, #tpu.memory_space<semaphore_mem>>)
      } else {
      }
      %mul3A_145 = arith.constant 4 : i32
      %mul3A_146 = arith.muli %mul3A_145, %scan3A_92 : i32
      %add3A_147 = arith.constant 2 : i32
      %add3A_148 = arith.addi %mul3A_146, %add3A_147 : i32
      %mul3A_149 = arith.constant 128 : i32
      %mul3A_150 = arith.muli %add3A_148, %mul3A_149 : i32
      %dma_wait3A_151 = tpu.memref_slice %arg6[%mul3A_150] : memref<5120xi32, #tpu.memory_space<vmem>> -> memref<128xi32, #tpu.memory_space<vmem>>
      %dma_wait3A_152 = arith.constant 0 : i32
      %dma_wait3A_153 = arith.constant 0 : i32
      %dma_wait3A_154 = tpu.memref_slice %arg17[%dma_wait3A_152, %dma_wait3A_153] : memref<10240x16xf32, #tpu.memory_space<vmem_shared>> -> memref<10240x16xf32, #tpu.memory_space<vmem_shared>>
      tpu.wait_indirect_dma semaphore(%arg20 : memref<!tpu.dma_semaphore, #tpu.memory_space<semaphore_mem>>) src(%dma_wait3A_154 : memref<10240x16xf32, #tpu.memory_space<vmem_shared>>) dst(%arg10 : memref<128x16xf32, #tpu.memory_space<vmem>>)
      %mul3A_155 = arith.constant 128 : i32
      %mul3A_156 = arith.muli %add3A_148, %mul3A_155 : i32
      %dma_start3A_157 = tpu.memref_slice %arg7[%mul3A_156] : memref<5120xi32, #tpu.memory_space<vmem>> -> memref<128xi32, #tpu.memory_space<vmem>>
      %dma_start3A_158 = arith.constant 0 : i32
      %dma_start3A_159 = arith.constant 0 : i32
      %dma_start3A_160 = tpu.memref_slice %arg16[%dma_start3A_158, %dma_start3A_159] : memref<10240x16xf32, #tpu.memory_space<vmem_shared>> -> memref<10240x16xf32, #tpu.memory_space<vmem_shared>>
      tpu.enqueue_indirect_dma source(%arg10 : memref<128x16xf32, #tpu.memory_space<vmem>>) target(%dma_start3A_160 : memref<10240x16xf32, #tpu.memory_space<vmem_shared>>) offsets(%dma_start3A_157 : memref<128xi32, #tpu.memory_space<vmem>>) semaphore(%arg24 : memref<!tpu.dma_semaphore, #tpu.memory_space<semaphore_mem>>) {add = true}
      %ge3A_161 = arith.constant 2 : i32
      %ge3A_162 = arith.cmpi sge, %add3A_148, %ge3A_161 : i32
      %convert_element_type3A_163 = arith.extui %ge3A_162 : i1 to i32
      %cond3A_164 = arith.constant 0 : i32
      %cond3A_165 = arith.cmpi ne, %convert_element_type3A_163, %cond3A_164 : i32
      scf.if %cond3A_165 {
        %mul3A_201 = arith.constant 128 : i32
        %mul3A_202 = arith.muli %add3A_148, %mul3A_201 : i32
        %dma_wait3A_203 = tpu.memref_slice %arg7[%mul3A_202] : memref<5120xi32, #tpu.memory_space<vmem>> -> memref<128xi32, #tpu.memory_space<vmem>>
        %dma_wait3A_204 = arith.constant 0 : i32
        %dma_wait3A_205 = arith.constant 0 : i32
        %dma_wait3A_206 = tpu.memref_slice %arg16[%dma_wait3A_204, %dma_wait3A_205] : memref<10240x16xf32, #tpu.memory_space<vmem_shared>> -> memref<10240x16xf32, #tpu.memory_space<vmem_shared>>
        tpu.wait_indirect_dma semaphore(%arg22 : memref<!tpu.dma_semaphore, #tpu.memory_space<semaphore_mem>>) src(%arg8 : memref<128x16xf32, #tpu.memory_space<vmem>>) dst(%dma_wait3A_206 : memref<10240x16xf32, #tpu.memory_space<vmem_shared>>)
      } else {
      }
      %add3A_166 = arith.constant 2 : i32
      %add3A_167 = arith.addi %add3A_148, %add3A_166 : i32
      %lt3A_168 = arith.constant 40 : i32
      %lt3A_169 = arith.cmpi slt, %add3A_167, %lt3A_168 : i32
      %convert_element_type3A_170 = arith.extui %lt3A_169 : i1 to i32
      %cond3A_171 = arith.constant 0 : i32
      %cond3A_172 = arith.cmpi ne, %convert_element_type3A_170, %cond3A_171 : i32
      scf.if %cond3A_172 {
        %add3A_201 = arith.constant 2 : i32
        %add3A_202 = arith.addi %add3A_148, %add3A_201 : i32
        %mul3A_203 = arith.constant 128 : i32
        %mul3A_204 = arith.muli %add3A_202, %mul3A_203 : i32
        %dma_start3A_205 = tpu.memref_slice %arg6[%mul3A_204] : memref<5120xi32, #tpu.memory_space<vmem>> -> memref<128xi32, #tpu.memory_space<vmem>>
        %dma_start3A_206 = arith.constant 0 : i32
        %dma_start3A_207 = arith.constant 0 : i32
        %dma_start3A_208 = tpu.memref_slice %arg17[%dma_start3A_206, %dma_start3A_207] : memref<10240x16xf32, #tpu.memory_space<vmem_shared>> -> memref<10240x16xf32, #tpu.memory_space<vmem_shared>>
        tpu.enqueue_indirect_dma source(%dma_start3A_208 : memref<10240x16xf32, #tpu.memory_space<vmem_shared>>) target(%arg8 : memref<128x16xf32, #tpu.memory_space<vmem>>) offsets(%dma_start3A_205 : memref<128xi32, #tpu.memory_space<vmem>>) semaphore(%arg18 : memref<!tpu.dma_semaphore, #tpu.memory_space<semaphore_mem>>)
      } else {
      }
      %mul3A_173 = arith.constant 4 : i32
      %mul3A_174 = arith.muli %mul3A_173, %scan3A_92 : i32
      %add3A_175 = arith.constant 3 : i32
      %add3A_176 = arith.addi %mul3A_174, %add3A_175 : i32
      %mul3A_177 = arith.constant 128 : i32
      %mul3A_178 = arith.muli %add3A_176, %mul3A_177 : i32
      %dma_wait3A_179 = tpu.memref_slice %arg6[%mul3A_178] : memref<5120xi32, #tpu.memory_space<vmem>> -> memref<128xi32, #tpu.memory_space<vmem>>
      %dma_wait3A_180 = arith.constant 0 : i32
      %dma_wait3A_181 = arith.constant 0 : i32
      %dma_wait3A_182 = tpu.memref_slice %arg17[%dma_wait3A_180, %dma_wait3A_181] : memref<10240x16xf32, #tpu.memory_space<vmem_shared>> -> memref<10240x16xf32, #tpu.memory_space<vmem_shared>>
      tpu.wait_indirect_dma semaphore(%arg21 : memref<!tpu.dma_semaphore, #tpu.memory_space<semaphore_mem>>) src(%dma_wait3A_182 : memref<10240x16xf32, #tpu.memory_space<vmem_shared>>) dst(%arg11 : memref<128x16xf32, #tpu.memory_space<vmem>>)
      %mul3A_183 = arith.constant 128 : i32
      %mul3A_184 = arith.muli %add3A_176, %mul3A_183 : i32
      %dma_start3A_185 = tpu.memref_slice %arg7[%mul3A_184] : memref<5120xi32, #tpu.memory_space<vmem>> -> memref<128xi32, #tpu.memory_space<vmem>>
      %dma_start3A_186 = arith.constant 0 : i32
      %dma_start3A_187 = arith.constant 0 : i32
      %dma_start3A_188 = tpu.memref_slice %arg16[%dma_start3A_186, %dma_start3A_187] : memref<10240x16xf32, #tpu.memory_space<vmem_shared>> -> memref<10240x16xf32, #tpu.memory_space<vmem_shared>>
      tpu.enqueue_indirect_dma source(%arg11 : memref<128x16xf32, #tpu.memory_space<vmem>>) target(%dma_start3A_188 : memref<10240x16xf32, #tpu.memory_space<vmem_shared>>) offsets(%dma_start3A_185 : memref<128xi32, #tpu.memory_space<vmem>>) semaphore(%arg25 : memref<!tpu.dma_semaphore, #tpu.memory_space<semaphore_mem>>) {add = true}
      %ge3A_189 = arith.constant 2 : i32
      %ge3A_190 = arith.cmpi sge, %add3A_176, %ge3A_189 : i32
      %convert_element_type3A_191 = arith.extui %ge3A_190 : i1 to i32
      %cond3A_192 = arith.constant 0 : i32
      %cond3A_193 = arith.cmpi ne, %convert_element_type3A_191, %cond3A_192 : i32
      scf.if %cond3A_193 {
        %mul3A_201 = arith.constant 128 : i32
        %mul3A_202 = arith.muli %add3A_176, %mul3A_201 : i32
        %dma_wait3A_203 = tpu.memref_slice %arg7[%mul3A_202] : memref<5120xi32, #tpu.memory_space<vmem>> -> memref<128xi32, #tpu.memory_space<vmem>>
        %dma_wait3A_204 = arith.constant 0 : i32
        %dma_wait3A_205 = arith.constant 0 : i32
        %dma_wait3A_206 = tpu.memref_slice %arg16[%dma_wait3A_204, %dma_wait3A_205] : memref<10240x16xf32, #tpu.memory_space<vmem_shared>> -> memref<10240x16xf32, #tpu.memory_space<vmem_shared>>
        tpu.wait_indirect_dma semaphore(%arg23 : memref<!tpu.dma_semaphore, #tpu.memory_space<semaphore_mem>>) src(%arg9 : memref<128x16xf32, #tpu.memory_space<vmem>>) dst(%dma_wait3A_206 : memref<10240x16xf32, #tpu.memory_space<vmem_shared>>)
      } else {
      }
      %add3A_194 = arith.constant 2 : i32
      %add3A_195 = arith.addi %add3A_176, %add3A_194 : i32
      %lt3A_196 = arith.constant 40 : i32
      %lt3A_197 = arith.cmpi slt, %add3A_195, %lt3A_196 : i32
      %convert_element_type3A_198 = arith.extui %lt3A_197 : i1 to i32
      %cond3A_199 = arith.constant 0 : i32
      %cond3A_200 = arith.cmpi ne, %convert_element_type3A_198, %cond3A_199 : i32
      scf.if %cond3A_200 {
        %add3A_201 = arith.constant 2 : i32
        %add3A_202 = arith.addi %add3A_176, %add3A_201 : i32
        %mul3A_203 = arith.constant 128 : i32
        %mul3A_204 = arith.muli %add3A_202, %mul3A_203 : i32
        %dma_start3A_205 = tpu.memref_slice %arg6[%mul3A_204] : memref<5120xi32, #tpu.memory_space<vmem>> -> memref<128xi32, #tpu.memory_space<vmem>>
        %dma_start3A_206 = arith.constant 0 : i32
        %dma_start3A_207 = arith.constant 0 : i32
        %dma_start3A_208 = tpu.memref_slice %arg17[%dma_start3A_206, %dma_start3A_207] : memref<10240x16xf32, #tpu.memory_space<vmem_shared>> -> memref<10240x16xf32, #tpu.memory_space<vmem_shared>>
        tpu.enqueue_indirect_dma source(%dma_start3A_208 : memref<10240x16xf32, #tpu.memory_space<vmem_shared>>) target(%arg9 : memref<128x16xf32, #tpu.memory_space<vmem>>) offsets(%dma_start3A_205 : memref<128xi32, #tpu.memory_space<vmem>>) semaphore(%arg19 : memref<!tpu.dma_semaphore, #tpu.memory_space<semaphore_mem>>)
      } else {
      }
    }
    %scan3A_80 = arith.constant 10 : i32
    %dma_wait3A_81 = arith.constant 0 : i32
    %dma_wait3A_82 = tpu.memref_slice %arg7[%dma_wait3A_81] : memref<5120xi32, #tpu.memory_space<vmem>> -> memref<128xi32, #tpu.memory_space<vmem>>
    %dma_wait3A_83 = arith.constant 0 : i32
    %dma_wait3A_84 = arith.constant 0 : i32
    %dma_wait3A_85 = tpu.memref_slice %arg16[%dma_wait3A_83, %dma_wait3A_84] : memref<10240x16xf32, #tpu.memory_space<vmem_shared>> -> memref<10240x16xf32, #tpu.memory_space<vmem_shared>>
    tpu.wait_indirect_dma semaphore(%arg24 : memref<!tpu.dma_semaphore, #tpu.memory_space<semaphore_mem>>) src(%arg10 : memref<128x16xf32, #tpu.memory_space<vmem>>) dst(%dma_wait3A_85 : memref<10240x16xf32, #tpu.memory_space<vmem_shared>>)
    %dma_wait3A_86 = arith.constant 0 : i32
    %dma_wait3A_87 = tpu.memref_slice %arg7[%dma_wait3A_86] : memref<5120xi32, #tpu.memory_space<vmem>> -> memref<128xi32, #tpu.memory_space<vmem>>
    %dma_wait3A_88 = arith.constant 0 : i32
    %dma_wait3A_89 = arith.constant 0 : i32
    %dma_wait3A_90 = tpu.memref_slice %arg16[%dma_wait3A_88, %dma_wait3A_89] : memref<10240x16xf32, #tpu.memory_space<vmem_shared>> -> memref<10240x16xf32, #tpu.memory_space<vmem_shared>>
    tpu.wait_indirect_dma semaphore(%arg25 : memref<!tpu.dma_semaphore, #tpu.memory_space<semaphore_mem>>) src(%arg11 : memref<128x16xf32, #tpu.memory_space<vmem>>) dst(%dma_wait3A_90 : memref<10240x16xf32, #tpu.memory_space<vmem_shared>>)
    %barrier3A_91 = arith.constant 0 : index
    tpu.barrier barrier_id(%barrier3A_91)
    "tpu.region"() ({
      %run_scoped3A = tpu.sem_alloc : memref<!tpu.dma_semaphore, #tpu.memory_space<semaphore_mem>>
      %dma_start3A_92 = arith.constant 0 : i32
      %dma_start3A_93 = tpu.memref_slice %arg5[%arg0, %mul3A_2, %dma_start3A_92] : memref<2x10240x16xf32, #tpu.memory_space<hbm>> -> memref<1x640x16xf32, #tpu.memory_space<hbm>>
      %dma_start3A_94 = tpu.memref_squeeze %dma_start3A_93 : memref<1x640x16xf32, #tpu.memory_space<hbm>> -> memref<640x16xf32, #tpu.memory_space<hbm>>
      %dma_start3A_95 = arith.constant 0 : i32
      %dma_start3A_96 = tpu.memref_slice %arg16[%mul3A_2, %dma_start3A_95] : memref<10240x16xf32, #tpu.memory_space<vmem_shared>> -> memref<640x16xf32, #tpu.memory_space<vmem_shared>>
      tpu.enqueue_dma source(%dma_start3A_96 : memref<640x16xf32, #tpu.memory_space<vmem_shared>>) target(%dma_start3A_94 : memref<640x16xf32, #tpu.memory_space<hbm>>) target_semaphore(%run_scoped3A : memref<!tpu.dma_semaphore, #tpu.memory_space<semaphore_mem>>)
      %dma_wait3A_97 = arith.constant 0 : i32
      %dma_wait3A_98 = tpu.memref_slice %arg5[%arg0, %mul3A_2, %dma_wait3A_97] : memref<2x10240x16xf32, #tpu.memory_space<hbm>> -> memref<1x640x16xf32, #tpu.memory_space<hbm>>
      %dma_wait3A_99 = tpu.memref_squeeze %dma_wait3A_98 : memref<1x640x16xf32, #tpu.memory_space<hbm>> -> memref<640x16xf32, #tpu.memory_space<hbm>>
      %dma_wait3A_100 = arith.constant 0 : i32
      %dma_wait3A_101 = tpu.memref_slice %arg16[%mul3A_2, %dma_wait3A_100] : memref<10240x16xf32, #tpu.memory_space<vmem_shared>> -> memref<640x16xf32, #tpu.memory_space<vmem_shared>>
      tpu.wait_dma2 semaphore(%run_scoped3A : memref<!tpu.dma_semaphore, #tpu.memory_space<semaphore_mem>>) src(%dma_wait3A_101 : memref<640x16xf32, #tpu.memory_space<vmem_shared>>) dst(%dma_wait3A_99 : memref<640x16xf32, #tpu.memory_space<hbm>>)
      tpu.yield
    }) : () -> ()
    return
  }
}

module attributes {stable_mosaic.version = 14 : i64} {
  func.func @_mm1_body(%arg0: i32, %arg1: memref<640x768xf32, #tpu.memory_space<vmem>>, %arg2: memref<768x16xf32, #tpu.memory_space<vmem>>, %arg3: memref<640x16xf32, #tpu.memory_space<vmem>>) attributes {dimension_semantics = [#tpu.dimension_semantics<arbitrary>], iteration_bounds = array<i64: 16>, scalar_prefetch = 0 : i64, scratch_operands = 0 : i64, tpu.core_type = #tpu.core_type<tc>, window_params = [{transform_indices = @transform_0, window_bounds = array<i64: 640, 768>}, {pipeline_mode = #tpu.pipeline_mode<synchronous>, transform_indices = @transform_1, window_bounds = array<i64: 768, 16>}, {transform_indices = @transform_2, window_bounds = array<i64: 640, 16>}]} {
    %get3A = arith.constant 0 : index
    %get3A_0 = arith.constant 0 : index
    %get3A_1 = vector.load %arg1[%get3A, %get3A_0] : memref<640x768xf32, #tpu.memory_space<vmem>>, vector<640x768xf32>
    %get3A_2 = arith.constant 0 : index
    %get3A_3 = arith.constant 0 : index
    %get3A_4 = vector.load %arg2[%get3A_2, %get3A_3] : memref<768x16xf32, #tpu.memory_space<vmem>>, vector<768x16xf32>
    %dot_general3A = arith.constant dense<0.000000e+00> : vector<640x16xf32>
    %dot_general3A_5 = tpu.matmul %get3A_1, %get3A_4, %dot_general3A {dimension_numbers = #tpu.dot_dimension_numbers<[1], [0], [0], [1], [0, 0, 1, 1], [], []>, transpose_lhs_hint = false} : vector<640x768xf32>, vector<768x16xf32>, vector<640x16xf32> -> vector<640x16xf32>
    %swap3A = arith.constant 0 : index
    %swap3A_6 = arith.constant 0 : index
    %swap3A_7 = vector.load %arg3[%swap3A, %swap3A_6] : memref<640x16xf32, #tpu.memory_space<vmem>>, vector<640x16xf32>
    tpu.vector_store %arg3[%swap3A, %swap3A_6], %dot_general3A_5 {strides = array<i32>} : memref<640x16xf32, #tpu.memory_space<vmem>>, vector<640x16xf32>,
    return
  }
  func.func @transform_0(%arg0: i32) -> (i32, i32) {
    %c0_i32 = arith.constant 0 : i32
    %c0_i32_0 = arith.constant 0 : i32
    return %arg0, %c0_i32 : i32, i32
  }
  func.func @transform_1(%arg0: i32) -> (i32, i32) {
    %c0_i32 = arith.constant 0 : i32
    %c0_i32_0 = arith.constant 0 : i32
    %c0_i32_1 = arith.constant 0 : i32
    return %c0_i32, %c0_i32_0 : i32, i32
  }
  func.func @transform_2(%arg0: i32) -> (i32, i32) {
    %c0_i32 = arith.constant 0 : i32
    %c0_i32_0 = arith.constant 0 : i32
    return %arg0, %c0_i32 : i32, i32
  }
}

module attributes {stable_mosaic.version = 14 : i64} {
  func.func @_final_body(%arg0: memref<2x10240x16xf32, #tpu.memory_space<vmem>>, %arg1: memref<16x21xf32, #tpu.memory_space<vmem>>, %arg2: memref<21x1xf32, #tpu.memory_space<vmem>>, %arg3: memref<21x10000xf32, #tpu.memory_space<vmem>>) attributes {dimension_semantics = [], scalar_prefetch = 0 : i64, scratch_operands = 0 : i64, tpu.core_type = #tpu.core_type<tc>} {
    %get3A = arith.constant 0 : index
    %get3A_0 = arith.constant 0 : index
    %get3A_1 = arith.constant 0 : index
    %get3A_2 = vector.load %arg0[%get3A, %get3A_0, %get3A_1] : memref<2x10240x16xf32, #tpu.memory_space<vmem>>, vector<1x10240x16xf32>
    %get3A_3 = vector.shape_cast %get3A_2 : vector<1x10240x16xf32> to vector<10240x16xf32>
    %get3A_4 = arith.constant 1 : index
    %get3A_5 = arith.constant 0 : index
    %get3A_6 = arith.constant 0 : index
    %get3A_7 = vector.load %arg0[%get3A_4, %get3A_5, %get3A_6] : memref<2x10240x16xf32, #tpu.memory_space<vmem>>, vector<1x10240x16xf32>
    %get3A_8 = vector.shape_cast %get3A_7 : vector<1x10240x16xf32> to vector<10240x16xf32>
    %add3A = arith.addf %get3A_3, %get3A_8 : vector<10240x16xf32>
    %get3A_9 = arith.constant 0 : index
    %get3A_10 = arith.constant 0 : index
    %get3A_11 = vector.load %arg1[%get3A_9, %get3A_10] : memref<16x21xf32, #tpu.memory_space<vmem>>, vector<16x21xf32>
    %dot_general3A = arith.constant dense<0.000000e+00> : vector<21x10240xf32>
    %dot_general3A_12 = tpu.matmul %get3A_11, %add3A, %dot_general3A {dimension_numbers = #tpu.dot_dimension_numbers<[0], [1], [1], [0], [0, 1, 1, 0], [], []>, transpose_lhs_hint = false} : vector<16x21xf32>, vector<10240x16xf32>, vector<21x10240xf32> -> vector<21x10240xf32>
    %slice3A = vector.extract_strided_slice %dot_general3A_12 {offsets = [0, 0], sizes = [21, 10000], strides = [1, 1]} : vector<21x10240xf32> to vector<21x10000xf32>
    %get3A_13 = arith.constant 0 : index
    %get3A_14 = arith.constant 0 : index
    %get3A_15 = vector.load %arg2[%get3A_13, %get3A_14] : memref<21x1xf32, #tpu.memory_space<vmem>>, vector<21x1xf32>
    %add3A_16 = vector.broadcast %get3A_15 : vector<21x1xf32> to vector<21x10000xf32>
    %add3A_17 = arith.addf %slice3A, %add3A_16 : vector<21x10000xf32>
    %swap3A = arith.constant 0 : index
    %swap3A_18 = arith.constant 0 : index
    %swap3A_19 = vector.load %arg3[%swap3A, %swap3A_18] : memref<21x10000xf32, #tpu.memory_space<vmem>>, vector<21x10000xf32>
    tpu.vector_store %arg3[%swap3A, %swap3A_18], %add3A_17 {strides = array<i32>} : memref<21x10000xf32, #tpu.memory_space<vmem>>, vector<21x10000xf32>,
    return
  }
}

</mosaic_0001>

<sc_bundles>
// kernel: kernel.6.cloned.1.call-start
scs
__scs_entry_jumppad:
0x0: {  	(pc) =	sbr.rel $0x88, $3  }
0x1: {  	(tag) =	ssettag $0x0;
	lr =	simm.s32 $0x1  }
0x2: {  	[smem:$0x3F9B] =	sst lr;
	_ =	strace $0xD0000000  }
0x3: {  	_ = 	snop  }
0x4: {  	_ = 	snop  }
0x5: {  	_ = 	snop  }
0x6: {  	_ = 	snop  }
0x7: {  	_ = 	snop  }
__scs_overlays_trampoline_lowered:
0x8: {  	[smem:$0x3FAA] =	sst s0  }
0x9: {  	[smem:$0x3FAB] =	sst s1  }
0xa: {  	[smem:$0x3FAC] =	sst s2  }
0xb: {  	[smem:$0x3FAD] =	sst s3  }
0xc: {  	[smem:$0x3FAE] =	sst s4  }
0xd: {  	[smem:$0x3FAF] =	sst s5  }
0xe: {  	[smem:$0x3FB0] =	sst s6  }
0xf: {  	[smem:$0x3FB1] =	sst s7  }
0x10: {  	[smem:$0x3FB2] =	sst s8  }
0x11: {  	[smem:$0x3FB3] =	sst s9;
	s0 =	simm.s32 @!p0 $0x0  }
0x12: {  	s1 =	sld [smem:$0x3F99];
	s0 =	simm.s32 @p0 $0x1  }
0x13: {  	[smem:$0x3FB4] =	sst s0;
	s0 =	simm.s32 @!p1 $0x0  }
0x14: {  	s2 =	sld [smem:$0x3F98];
	s0 =	simm.s32 @p1 $0x1  }
0x15: {  	[smem:$0x3FB5] =	sst s0;
	s0 =	simm.s32 @!p2 $0x0  }
0x16: {  	s3 =	sld [smem:$0x3FDB];
	s0 =	simm.s32 @p2 $0x1  }
0x17: {  	s4 =	simm.s32 $0x1BF5;
	[smem:$0x3FB7] =	sst s0  }
0x18: {  	s0 =	sld [smem:$0x3F9A];
	_ =	swait.ge [sflag:s4], $0x0  }
0x19: {  	s7 =	sld [smem:$0x3F9B]  }
0x1a: {  	s8 =	sadd.s32 $0xFFFFE003, lr  }
0x1b: {  	s9 =	sadd.s32 $0xFFFFFEF7, lr;
	s5 =	simm.s32 $0xFFFFFFFF;
	p2 =	slt.u32 s8, $0xFFFFF086  }
0x1c: {  	p1 =	slt.u32 s9, $0xF7A;
	s5 =	simm.s32 @!p2 $0x0  }
0x1d: {  	s5 =	simm.s32 @p1 $0x1;
	p0 =	seq.s32 s7, s2  }
0x1e: {  	s7 =	smul.u32 @!p0 $0xF7A, s2;
	p2 =	seq.s32 @!p0 s5, $0x0  }
0x1f: {  	s9 =	smul.u32 $0xF7A, s1;
	s8 =	simm.s32 @!p0 $0x1BF5;
	p2 =	por !p2, p0  }
0x20: {  	[sflag:s8] =	ssyncset.s32 @!p0 $0xFFFFF086;
	s6 =	sadd.s32 @!p0 s3, s7;
	s7 =	simm.s32 @!p0 $0x108  }
0x21: {  	s3 =	sadd.s32 s3, s9;
	s6 =	sadd.s32 @!p0 $0x88, s6;
	s7 =	simm.s32 @p2 $0x1082  }
0x22: {  	[simem:s7], [sflag:s8] =	dma.local @!p0 [hbm:s6], $0xF7A  }
0x23: {  	s9 =	sor.u32 $0xD0000000, s2;
	s6 =	simm.s32 $0x108;
	_ =	swait.ge @!p0 [sflag:s8], $0x0  }
0x24: {  	s3 =	sadd.s32 $0x88, s3;
	s6 =	simm.s32 @!p1 $0x1082;
	[sflag:s4] =	ssyncset.s32 $0xFFFFF086  }
0x25: {  	[simem:s6], [sflag:s4] =	dma.local [hbm:s3], $0xF7A  }
0x26: {  	[smem:$0x3F9B] =	sst s1;
	(tag) =	ssettag s2;
	_ =	strace s9  }
0x27: {  	s1 =	sld [smem:$0x3FAB]  }
0x28: {  	s2 =	sld [smem:$0x3FAC]  }
0x29: {  	s4 =	sld [smem:$0x3FAE]  }
0x2a: {  	p0 =	seq.s32 s5, $0x0;
	s5 =	sld [smem:$0x3FAF]  }
0x2b: {  	s6 =	sld [smem:$0x3FB0]  }
0x2c: {  	s7 =	sld [smem:$0x3FB1]  }
0x2d: {  	s3 =	simm.s32 $0x108;
	s8 =	sld [smem:$0x3FB2]  }
0x2e: {  	s3 =	simm.s32 @!p0 $0x1082;
	s9 =	sld [smem:$0x3FB3]  }
0x2f: {  	lr =	sadd.s32 s0, s3;
	s0 =	sld [smem:$0x3FAA]  }
0x30: {  	s3 =	sld [smem:$0x3FAD]  }
0x31: {  	[smem:$0x3FB6] =	sst s10  }
0x32: {  	s10 =	sld [smem:$0x3FB4];
	_ =	sdelay $0x3  }
0x33: {  	p0 =	seq.s32 s10, $0x1;
	s10 =	sld [smem:$0x3FB6];
	_ =	sdelay $0x3  }
0x34: {  	[smem:$0x3FB6] =	sst s10  }
0x35: {  	s10 =	sld [smem:$0x3FB5];
	_ =	sdelay $0x3  }
0x36: {  	p1 =	seq.s32 s10, $0x1;
	s10 =	sld [smem:$0x3FB6];
	_ =	sdelay $0x3  }
0x37: {  	[smem:$0x3FB6] =	sst s10  }
0x38: {  	s10 =	sld [smem:$0x3FB7]  }
0x39: {  	_ = 	snop;
	(pc) =	sbr.ind lr, $3  }
0x3a: {  	_ = 	snop  }
0x3b: {  	_ = 	snop  }
0x3c: {  	p2 =	seq.s32 s10, $0x1;
	s10 =	sld [smem:$0x3FB6]  }
0x3d: {  	_ =	shalt  }
0x3e: {  	_ =	shalt  }
0x3f: {  	_ =	shalt  }
0x40: {  	_ =	shalt  }
0x41: {  	_ =	shalt  }
0x42: {  	_ =	shalt  }
0x43: {  	_ =	shalt  }
0x44: {  	_ =	shalt  }
0x45: {  	_ =	shalt  }
0x46: {  	_ =	shalt  }
0x47: {  	_ =	shalt  }
0x48: {  	_ =	shalt  }
0x49: {  	_ =	shalt  }
0x4a: {  	_ =	shalt  }
0x4b: {  	_ =	shalt  }
0x4c: {  	_ =	shalt  }
0x4d: {  	_ =	shalt  }
0x4e: {  	_ =	shalt  }
0x4f: {  	_ =	shalt  }
0x50: {  	_ =	shalt  }
0x51: {  	_ =	shalt  }
0x52: {  	_ =	shalt  }
0x53: {  	_ =	shalt  }
0x54: {  	_ =	shalt  }
0x55: {  	_ =	shalt  }
0x56: {  	_ =	shalt  }
0x57: {  	_ =	shalt  }
0x58: {  	_ =	shalt  }
0x59: {  	_ =	shalt  }
0x5a: {  	_ =	shalt  }
0x5b: {  	_ =	shalt  }
0x5c: {  	_ =	shalt  }
0x5d: {  	_ =	shalt  }
0x5e: {  	_ =	shalt  }
0x5f: {  	_ =	shalt  }
0x60: {  	_ =	shalt  }
0x61: {  	_ =	shalt  }
0x62: {  	_ =	shalt  }
0x63: {  	_ =	shalt  }
0x64: {  	_ =	shalt  }
0x65: {  	_ =	shalt  }
0x66: {  	_ =	shalt  }
0x67: {  	_ =	shalt  }
0x68: {  	_ =	shalt  }
0x69: {  	_ =	shalt  }
0x6a: {  	_ =	shalt  }
0x6b: {  	_ =	shalt  }
0x6c: {  	_ =	shalt  }
0x6d: {  	_ =	shalt  }
0x6e: {  	_ =	shalt  }
0x6f: {  	_ =	shalt  }
0x70: {  	_ =	shalt  }
0x71: {  	_ =	shalt  }
0x72: {  	_ =	shalt  }
0x73: {  	_ =	shalt  }
0x74: {  	_ =	shalt  }
0x75: {  	_ =	shalt  }
0x76: {  	_ =	shalt  }
0x77: {  	_ =	shalt  }
0x78: {  	_ =	shalt  }
0x79: {  	_ =	shalt  }
0x7a: {  	_ =	shalt  }
0x7b: {  	_ =	shalt  }
0x7c: {  	_ =	shalt  }
0x7d: {  	_ =	shalt  }
0x7e: {  	_ =	shalt  }
0x7f: {  	_ =	shalt  }
0x80: {  	_ =	shalt  }
0x81: {  	_ =	shalt  }
0x82: {  	_ =	shalt  }
0x83: {  	_ =	shalt  }
0x84: {  	_ =	shalt  }
0x85: {  	_ =	shalt  }
0x86: {  	_ =	shalt  }
0x87: {  	_ =	shalt  }
.Lfunc_end0:
.L_simem_size_0:
called_computation_lowered:
.L_overlay_start_0:
0x88: {  	s2 =	sld [smem:$0x3FD9]  }
0x89: {  	s3 =	sld [smem:$0x3FFE];
	_ =	sdelay $0x1  }
0x8a: {  	s1 =	srdreg.scid  }
0x8b: {  	s0 =	sand.u32 $0x1, s1  }
0x8c: {  	s17 =	sshll.u32 s0, $0xA;
	s2 =	sadd.s32 s3, s2  }
0x8d: {  	s2 =	sadd.s32 s2, s17  }
0x8e: {  	[smem:$0x3FC2] =	sst s2  }
0x8f: {  	_ = 	snop  }
0x90: {  	s2 =	sld [smem:$0x3FD0];
	(tm) =	ssettm $0x1  }
0x91: {  	s18 =	sld [smem:$0x3FFB];
	_ =	sdelay $0x3  }
0x92: {  	_ =	strace s18  }
0x93: {  	s3 =	sld [smem:$0x3FFC];
	_ =	sdelay $0x3  }
0x94: {  	_ =	strace s3  }
0x95: {  	s3 =	sld [smem:$0x3FFD];
	_ =	sdelay $0x3  }
0x96: {  	_ =	strace s3  }
0x97: {  	_ =	strace $0x8FFFFFFF  }
0x98: {  	s19 =	sld [smem:$0x3FDB];
	_ =	sdelay $0x1  }
0x99: {  	s4 =	simm.s32 $_scs_section_size  }
0x9a: {  	s5 =	simm.s32 $_size__tile_overlayer_lowered;
	s6 =	simm.s32 $_tile_overlayer_lowered  }
0x9b: {  	s22 =	simm.s32 $0x1BFF;
	s21 =	sshll.u32 s6, $0x1;
	s3 =	sadd.s32 s4, s19  }
0x9c: {  	s7 =	simm.s32 $0x0;
	s20 =	sshll.u32 s5, $0x1;
	s5 =	sadd.s32 s21, s3  }
0x9d: {  	[timem:s7], [sflag:s22] =	dma.local [hbm:s5], s20  }
0x9e: {  	_ =	swait.ge [sflag:s22], s20  }
0x9f: {  	s4 =	ssub.s32 $0x0, s20;
	[sflag:s22] =	ssyncset.done $0x0  }
0xa0: {  	[sflag:s22] =	ssyncadd.s32 s4;
	_ =	sdelay $0x1  }
0xa1: {  	s23 =	simm.s32 $0x1B8B  }
0xa2: {  	_ =	swait.ge [sflag:s23], $0x1  }
0xa3: {  	[sflag:s23] =	ssyncset.done $0x0  }
0xa4: {  	s25 =	simm.s32 $0x1B8E;
	s24 =	sld [smem:$0x3FFE];
	[sflag:s23] =	ssyncadd.s32 $0xFFFFFFFF  }
0xa5: {  	s26 =	simm.s32 $execute0_lowered;
	[smem:$0x3FD2] =	sst s25  }
0xa6: {  	s5 =	sshll.u32 s26, $0x1;
	_ =	strace $0x80000046;
	[dreg:$0x1] =	wrdreg $0xFFFFFFFF  }
0xa7: {  	s28 =	simm.s32 $_size_execute0_lowered;
	s3 =	sadd.s32 s3, s5;
	[dreg:$0x0] =	wrdreg $0x0  }
0xa8: {  	s5 =	sshll.u32 s28, $0x1;
	[dreg:$0x2] =	wrdreg s3  }
0xa9: {  	[dreg:$0x3] =	wrdreg s5  }
0xaa: {  	[dreg:$0x4] =	wrdreg $0xC0  }
0xab: {  	_ =	task [dreg:s7], $0x5FFFF  }
0xac: {  	[dreg:$0x1] =	wrdreg $0xFFFFFFFF  }
0xad: {  	[dreg:$0x0] =	wrdreg $0x60  }
0xae: {  	[dreg:$0x2] =	wrdreg s2  }
0xaf: {  	[dreg:$0x3] =	wrdreg s24  }
0xb0: {  	[dreg:$0x4] =	wrdreg $0x98000  }
0xb1: {  	[dreg:$0x5] =	wrdreg $0x70000  }
0xb2: {  	[dreg:$0x6] =	wrdreg $0x9  }
0xb3: {  	_ =	task.clear_ibuf [dreg:s7], $0x7FFFF;
	_ =	strace $0x90000046  }
0xb4: {  	s29 =	simm.s32 $0x9;
	_ =	strace $0x80000048  }
0xb5: {  	_ =	swait.ge [sflag:s29], $0x1  }
0xb6: {  	[sflag:s29] =	ssyncadd.s32 $0xFFFFFFFF  }
0xb7: {  	_ =	strace $0x90000048  }
0xb8: {  	_ =	sfence  }
0xb9: {  	s30 =	sld [smem:$0x0];
	_ =	sdelay $0x2  }
0xba: {  	s31 =	sshll.u32 s1, $0xD;
	s1 =	sshrl.u32 s1, $0x2  }
0xbb: {  	s3 =	sand.u32 $0x4000, s31;
	s1 =	sadd.s32 s1, s30  }
0xbc: {  	s0 =	sor.u32 s3, s0;
	s1 =	sshll.u32 s1, $0x11  }
0xbd: {  	s0 =	sor.u32 s1, s0  }
0xbe: {  	s0 =	sadd.s32 $0x8F2B, s0  }
0xbf: {  	[sflag:s0] =	ssyncadd.remote.s32 $0x1  }
0xc0: {  	_ =	sfence.sel $0xFFFF  }
0xc1: {  	[dreg:$0x0] =	wrdreg $0xFFFFFFFF;
	(pc) =	sbr.abs _section_cstart, $3  }
0xc2: {  	[dreg:$0x1] =	wrdreg $0xFFFFFFFF  }
0xc3: {  	_ =	task.clear_ibuf [dreg:s7], $0x2FFFF;
	_ =	strace $0x9FFFFFFF  }
0xc4: {  	(tm) =	ssettm $0x7FFFFFFF  }
0xc5: {  	_ =	shalt  }
tec
execute0_lowered:
.L_overlay_start_1:
0x0: {  	(tag) =	ssettag $0x1  }
0x1: {  	s0 =	rddreg [dreg:$0x0]  }
0x2: {  	s1 =	rddreg [dreg:$0x1]  }
0x3: {  	s2 =	rddreg [dreg:$0x2];
	s4 =	srdreg.scid  }
0x4: {  	s3 =	rddreg [dreg:$0x3];
	s9 =	stileid.u32  }
0x5: {  	s26 =	simm.s32 $0x0;
	s13 =	simm.s32 $0x1400;
	s15 =	simm.s32 $0x3  }
0x6: {  	s16 =	simm.s32 $0x1;
	s17 =	simm.s32 $0x2;
	s19 =	simm.s32 $0x9  }
0x7: {  	s20 =	simm.s32 $0x80;
	s21 =	simm.s32 $0x2800;
	s22 =	simm.s32 $0x3000  }
0x8: {  	s24 =	simm.s32 $0x3800;
	s28 =	simm.s32 $0x4000;
	s30 =	simm.s32 $0x5  }
0x9: {  	s18 =	simm.s32 $0x6;
	s25 =	simm.s32 $0x7;
	s29 =	simm.s32 $0x0  }
0xa: {  	s5 =	sand.u32 $0x1, s4;
	s10 =	smul.u32 $0x2800, s9;
	[smem:$0x7FF] =	sst s26  }
0xb: {  	s26 =	simm.s32 $0x8;
	s6 =	sshll.u32 s5, $0x4;
	s7 =	smul.u32 $0x28000, s5  }
0xc: {  	_ =	strace $0x80000047;
	s5 =	ssub.s32 $0x2, s5;
	s6 =	sor.u32 s9, s6  }
0xd: {  	s31 =	sshrl.u32 s5, $0x1;
	s14 =	sadd.s32 s10, s2;
	s8 =	sshrl.u32 s10, $0x3  }
0xe: {  	s6 =	smul.u32 $0x1400, s6;
	s7 =	sadd.s32 s10, s7;
	s12 =	ssub.s32 s5, s31  }
.Ltmp0:
0xf: {  	s8 =	sadd.s32 s0, s8;
	s10 =	sadd.s32 s10, s3;
	(pc) =	sbr.rel .LBB2_1-.Ltmp0, $4  }
0x10: {  	s14 =	sshrl.u32 s14, $0x3;
	s0 =	simm.s32 $0x4;
	s6 =	sshrl.u32 s6, $0x3  }
0x11: {  	s7 =	sshrl.u32 s7, $0x3;
	s12 =	smax.u32 s12, $0x1;
	s6 =	sadd.s32 s6, s1  }
0x12: {  	s1 =	sadd.s32 s7, s1;
	s7 =	sshll.u32 s9, $0x6;
	s5 =	sadd.s32 $0xE00, s6  }
0x13: {  	v0 =	vimm.f32 $0.0e+00;
	s6 =	sadd.s32 $0x5E00, s6;
	s9 =	sor.u32 $0x1C03, s7;
	s11 =	sadd.s32 $0xAE00, s1  }
.LBB2_6:
0x14: {  	_ =	swait.ge [sflag:s0], $0x800  }
0x15: {  	[sflag:s0] =	ssyncset.done $0x0  }
0x16: {  	[sflag:s0] =	ssyncadd.s32 $0xFFFFF800  }
0x17: {  	[spmem:s3] =	stream.indirect.scatter.add.f32 [tilespmem:s28], [sflag:$0x8], $0x10, s23, s20, $0xb8;
	[tilespmem:$0xC000] =	vst v63  }
0x18: {  	_ =	swait.ge [sflag:s18], $0x800  }
0x19: {  	[sflag:s18] =	ssyncset.done $0x0  }
0x1a: {  	[sflag:s18] =	ssyncadd.s32 $0xFFFFF800  }
0x1b: {  	_ =	swait.ge [sflag:s25], $0x800  }
0x1c: {  	[sflag:s25] =	ssyncset.done $0x0  }
0x1d: {  	[sflag:s25] =	ssyncadd.s32 $0xFFFFF800  }
0x1e: {  	_ =	swait.ge [sflag:s26], $0x800  }
0x1f: {  	s29 =	sadd.s32 $0x1, s29;
	[sflag:s26] =	ssyncset.done $0x0  }
0x20: {  	s1 =	sor.u32 $0x1C09, s7;
	p0 =	sne.s32 s29, s12;
	[sflag:s26] =	ssyncadd.s32 $0xFFFFF800  }
.Ltmp1:
0x21: {  	s4 =	sshrl.u32 s10, $0x3;
	[bflag:$0x0] =	sbarrier.arrive $0xFFFF;
	(pc) =	sbr.rel @!p0 .LBB2_7-.Ltmp1, $4  }
0x22: {  	[hbm:s11], [sflag:s1] =	dma.local [spmem:s4], $0x500  }
0x23: {  	_ =	swait.ge [sflag:s19], $0x500  }
0x24: {  	[sflag:s19] =	ssyncset.done $0x0  }
0x25: {  	[sflag:s19] =	ssyncadd.s32 $0xFFFFFB00  }
.LBB2_1:
0x26: {  	s1 =	simm.s32 $0x0  }
0x27: {  	[tilespmem:s1], [sflag:$0x1] =	stream.linear.gather [hbm4b:s5+s1], $0x1400, $0x38;
	[tilespmem:$0xC000] =	vst v63  }
0x28: {  	_ = 	snop  }
0x29: {  	[tilespmem:s13], [sflag:$0x2] =	stream.linear.gather [hbm4b:s6+s1], $0x1400, $0x38;
	[tilespmem:$0xC000] =	vst v63  }
0x2a: {  	s23 =	simm.s32 $0x0;
	s1 =	simm.s32 $0x40  }
0x2b: {  	[spmem:s14], [sflag:s9] =	dma.local [hbm:s8], $0x500  }
.LBB2_2:
0x2c: {  	p0 =	sne.s32 s1, $0x9FC0;
	[tilespmem:s23+$0x4800] =	vst v0;
	s23 =	smov.u32 s1;
	s1 =	sadd.s32 $0x40, s1  }
.Ltmp2:
0x2d: {  	(pc) =	sbr.rel @p0 .LBB2_2-.Ltmp2, $2  }
0x2e: {  	_ =	sdelay $0x2  }
0x2f: {  	s23 =	sshra.s32 s23, $0x2  }
0x30: {  	[tilespmem:s23+$0x4800] =	vst v0  }
0x31: {  	_ =	swait.ge [sflag:s15], $0x500  }
0x32: {  	[sflag:s15] =	ssyncset.done $0x0  }
0x33: {  	[sflag:s15] =	ssyncadd.s32 $0xFFFFFB00  }
0x34: {  	_ =	swait.ge [sflag:s16], $0x1400  }
0x35: {  	[sflag:s16] =	ssyncset.done $0x0  }
0x36: {  	[sflag:s16] =	ssyncadd.s32 $0xFFFFEC00  }
0x37: {  	_ =	swait.ge [sflag:s17], $0x1400  }
0x38: {  	[sflag:s17] =	ssyncset.done $0x0  }
0x39: {  	s1 =	simm.s32 $0x4800;
	[sflag:s17] =	ssyncadd.s32 $0xFFFFEC00  }
0x3a: {  	[spmem:s10] =	stream.linear.scatter [tilespmem:s1], [sflag:$0x9], $0x2800, $0x38;
	[tilespmem:$0xC000] =	vst v63  }
0x3b: {  	_ =	swait.ge [sflag:s19], $0x2800  }
0x3c: {  	[sflag:s19] =	ssyncset.done $0x0  }
0x3d: {  	[sflag:s19] =	ssyncadd.s32 $0xFFFFD800  }
0x3e: {  	s31 =	simm.s32 $0x0;
	[bflag:$0x0] =	sbarrier.arrive $0xFFFF  }
0x3f: {  	[tilespmem:s21], [sflag:$0x1] =	stream.indirect.gather [spmem:s2], $0x10, s31, s20, $0xb8;
	[tilespmem:$0xC000] =	vst v63  }
0x40: {  	_ = 	snop  }
0x41: {  	[tilespmem:s22], [sflag:$0x2] =	stream.indirect.gather [spmem:s2], $0x10, s20, s20, $0xb8;
	[tilespmem:$0xC000] =	vst v63  }
0x42: {  	_ =	swait.ge [sflag:s16], $0x800  }
0x43: {  	[sflag:s16] =	ssyncset.done $0x0  }
0x44: {  	[sflag:s16] =	ssyncadd.s32 $0xFFFFF800  }
0x45: {  	[spmem:s3] =	stream.indirect.scatter.add.f32 [tilespmem:s21], [sflag:$0x5], $0x10, s13, s20, $0xb8;
	[tilespmem:$0xC000] =	vst v63  }
0x46: {  	s23 =	simm.s32 $0x100  }
0x47: {  	[tilespmem:s24], [sflag:$0x3] =	stream.indirect.gather [spmem:s2], $0x10, s23, s20, $0xb8;
	[tilespmem:$0xC000] =	vst v63  }
0x48: {  	_ =	swait.ge [sflag:s17], $0x800  }
0x49: {  	[sflag:s17] =	ssyncset.done $0x0  }
0x4a: {  	s4 =	simm.s32 $0x1480;
	[sflag:s17] =	ssyncadd.s32 $0xFFFFF800  }
0x4b: {  	[spmem:s3] =	stream.indirect.scatter.add.f32 [tilespmem:s22], [sflag:$0x6], $0x10, s4, s20, $0xb8;
	[tilespmem:$0xC000] =	vst v63  }
0x4c: {  	s23 =	simm.s32 $0x180  }
0x4d: {  	[tilespmem:s28], [sflag:$0x4] =	stream.indirect.gather [spmem:s2], $0x10, s23, s20, $0xb8;
	[tilespmem:$0xC000] =	vst v63  }
0x4e: {  	_ =	swait.ge [sflag:s15], $0x800  }
0x4f: {  	[sflag:s15] =	ssyncset.done $0x0  }
0x50: {  	s4 =	simm.s32 $0x1500;
	[sflag:s15] =	ssyncadd.s32 $0xFFFFF800  }
0x51: {  	[spmem:s3] =	stream.indirect.scatter.add.f32 [tilespmem:s24], [sflag:$0x7], $0x10, s4, s20, $0xb8;
	[tilespmem:$0xC000] =	vst v63  }
0x52: {  	_ =	swait.ge [sflag:s30], $0x800  }
0x53: {  	[sflag:s30] =	ssyncset.done $0x0  }
0x54: {  	s23 =	simm.s32 $0x200;
	[sflag:s30] =	ssyncadd.s32 $0xFFFFF800  }
0x55: {  	[tilespmem:s21], [sflag:$0x1] =	stream.indirect.gather [spmem:s2], $0x10, s23, s20, $0xb8;
	[tilespmem:$0xC000] =	vst v63  }
0x56: {  	_ =	swait.ge [sflag:s0], $0x800  }
0x57: {  	[sflag:s0] =	ssyncset.done $0x0  }
0x58: {  	s4 =	simm.s32 $0x1580;
	[sflag:s0] =	ssyncadd.s32 $0xFFFFF800  }
0x59: {  	[spmem:s3] =	stream.indirect.scatter.add.f32 [tilespmem:s28], [sflag:$0x8], $0x10, s4, s20, $0xb8;
	[tilespmem:$0xC000] =	vst v63  }
0x5a: {  	_ =	swait.ge [sflag:s18], $0x800  }
0x5b: {  	[sflag:s18] =	ssyncset.done $0x0  }
0x5c: {  	s23 =	simm.s32 $0x280;
	[sflag:s18] =	ssyncadd.s32 $0xFFFFF800  }
0x5d: {  	[tilespmem:s22], [sflag:$0x2] =	stream.indirect.gather [spmem:s2], $0x10, s23, s20, $0xb8;
	[tilespmem:$0xC000] =	vst v63  }
.LBB2_4:
0x5e: {  	_ =	swait.ge [sflag:s16], $0x800  }
0x5f: {  	s1 =	sshra.s32 s31, $0x2;
	[sflag:s16] =	ssyncset.done $0x0  }
0x60: {  	s23 =	sadd.s32 $0x1600, s1;
	[sflag:s16] =	ssyncadd.s32 $0xFFFFF800  }
0x61: {  	[spmem:s3] =	stream.indirect.scatter.add.f32 [tilespmem:s21], [sflag:$0x5], $0x10, s23, s20, $0xb8;
	[tilespmem:$0xC000] =	vst v63  }
0x62: {  	_ =	swait.ge [sflag:s25], $0x800  }
0x63: {  	[sflag:s25] =	ssyncset.done $0x0  }
0x64: {  	s4 =	sadd.s32 $0x300, s1;
	[sflag:s25] =	ssyncadd.s32 $0xFFFFF800  }
0x65: {  	[tilespmem:s24], [sflag:$0x3] =	stream.indirect.gather [spmem:s2], $0x10, s4, s20, $0xb8;
	[tilespmem:$0xC000] =	vst v63  }
0x66: {  	_ =	swait.ge [sflag:s17], $0x800  }
0x67: {  	[sflag:s17] =	ssyncset.done $0x0  }
0x68: {  	s4 =	sadd.s32 $0x1680, s1;
	[sflag:s17] =	ssyncadd.s32 $0xFFFFF800  }
0x69: {  	[spmem:s3] =	stream.indirect.scatter.add.f32 [tilespmem:s22], [sflag:$0x6], $0x10, s4, s20, $0xb8;
	[tilespmem:$0xC000] =	vst v63  }
0x6a: {  	_ =	swait.ge [sflag:s26], $0x800  }
0x6b: {  	[sflag:s26] =	ssyncset.done $0x0  }
0x6c: {  	s4 =	sadd.s32 $0x380, s1;
	[sflag:s26] =	ssyncadd.s32 $0xFFFFF800  }
0x6d: {  	[tilespmem:s28], [sflag:$0x4] =	stream.indirect.gather [spmem:s2], $0x10, s4, s20, $0xb8;
	[tilespmem:$0xC000] =	vst v63  }
0x6e: {  	_ =	swait.ge [sflag:s15], $0x800  }
0x6f: {  	p0 =	seq.s32 s31, $0x4000;
	[sflag:s15] =	ssyncset.done $0x0  }
.Ltmp3:
0x70: {  	s4 =	sadd.s32 $0x1700, s1;
	[sflag:s15] =	ssyncadd.s32 $0xFFFFF800;
	(pc) =	sbr.rel @p0 .LBB2_6-.Ltmp3, $4  }
0x71: {  	[spmem:s3] =	stream.indirect.scatter.add.f32 [tilespmem:s24], [sflag:$0x7], $0x10, s4, s20, $0xb8;
	[tilespmem:$0xC000] =	vst v63  }
0x72: {  	_ =	swait.ge [sflag:s30], $0x800  }
0x73: {  	[sflag:s30] =	ssyncset.done $0x0  }
0x74: {  	s23 =	sadd.s32 $0x1780, s1;
	[sflag:s30] =	ssyncadd.s32 $0xFFFFF800  }
0x75: {  	s4 =	sadd.s32 $0x400, s1  }
0x76: {  	[tilespmem:s21], [sflag:$0x1] =	stream.indirect.gather [spmem:s2], $0x10, s4, s20, $0xb8;
	[tilespmem:$0xC000] =	vst v63  }
0x77: {  	_ =	swait.ge [sflag:s0], $0x800  }
0x78: {  	[sflag:s0] =	ssyncset.done $0x0  }
0x79: {  	[sflag:s0] =	ssyncadd.s32 $0xFFFFF800  }
0x7a: {  	[spmem:s3] =	stream.indirect.scatter.add.f32 [tilespmem:s28], [sflag:$0x8], $0x10, s23, s20, $0xb8;
	[tilespmem:$0xC000] =	vst v63  }
.Ltmp4:
0x7b: {  	_ = 	snop;
	(pc) =	sbr.rel .LBB2_4-.Ltmp4, $4  }
0x7c: {  	_ =	swait.ge [sflag:s18], $0x800  }
0x7d: {  	[sflag:s18] =	ssyncset.done $0x0  }
0x7e: {  	s31 =	sadd.s32 $0x800, s31;
	s23 =	sadd.s32 $0x480, s1;
	[sflag:s18] =	ssyncadd.s32 $0xFFFFF800  }
0x7f: {  	[tilespmem:s22], [sflag:$0x2] =	stream.indirect.gather [spmem:s2], $0x10, s23, s20, $0xb8;
	[tilespmem:$0xC000] =	vst v63  }
.LBB2_7:
0x80: {  	_ =	sfence.sel $0x180000  }
0x81: {  	[bflag:$0x0] =	sbarrier.arrive $0xFFFF  }
0x82: {  	_ =	strace $0x90000047  }
0x83: {  	s0 =	stileid.u32;
	[bflag:$0x2] =	sbarrier.arrive $0xFFFF  }
0x84: {  	p0 =	sne.s32 s0, $0x0;
	s0 =	rddreg [dreg:$0x4]  }
0x85: {  	s0 =	sadd.s32 @!p0 $0x100000, s0  }
0x86: {  	[sflag:s0] =	ssyncadd.tile.s32 @!p0 $0x1;
	_ =	shalt  }
.Lfunc_end2:
_tile_overlayer_lowered:
.L_overlay_start_2:
0x87: {  	(tag) =	ssettag $0x2  }
0x88: {  	s0 =	rddreg [dreg:$0x0];
	s2 =	stileid.u32  }
0x89: {  	s1 =	rddreg [dreg:$0x1];
	p0 =	sne.s32 s2, $0x0  }
0x8a: {  	s3 =	rddreg [dreg:$0x2];
	[bflag:$0x3] =	sbarrier.arrive $0xFFFF;
	s2 =	simm.s32 @!p0 $0x1C09  }
0x8b: {  	[timem:s3], [sflag:s2] =	dma.local @!p0 [hbm:s0], s1  }
0x8c: {  	s0 =	simm.s32 @!p0 $0x9  }
0x8d: {  	_ =	swait.ge @!p0 [sflag:s0], s1  }
0x8e: {  	s1 =	ssub.s32 @!p0 $0x0, s1;
	[sflag:s0] =	ssyncset.done @!p0 $0x0  }
0x8f: {  	[sflag:s0] =	ssyncadd.s32 @!p0 s1  }
0x90: {  	[bflag:$0x3] =	sbarrier.arrive $0xFFFF  }
0x91: {  	_ =	shalt  }

// kernel: kernel.9.cloned.1.call-start
scs
__scs_entry_jumppad:
0x0: {  	(pc) =	sbr.rel $0x88, $3  }
0x1: {  	(tag) =	ssettag $0x0;
	lr =	simm.s32 $0x1  }
0x2: {  	[smem:$0x3F9B] =	sst lr;
	_ =	strace $0xD0000000  }
0x3: {  	_ = 	snop  }
0x4: {  	_ = 	snop  }
0x5: {  	_ = 	snop  }
0x6: {  	_ = 	snop  }
0x7: {  	_ = 	snop  }
__scs_overlays_trampoline_lowered:
0x8: {  	[smem:$0x3FAA] =	sst s0  }
0x9: {  	[smem:$0x3FAB] =	sst s1  }
0xa: {  	[smem:$0x3FAC] =	sst s2  }
0xb: {  	[smem:$0x3FAD] =	sst s3  }
0xc: {  	[smem:$0x3FAE] =	sst s4  }
0xd: {  	[smem:$0x3FAF] =	sst s5  }
0xe: {  	[smem:$0x3FB0] =	sst s6  }
0xf: {  	[smem:$0x3FB1] =	sst s7  }
0x10: {  	[smem:$0x3FB2] =	sst s8  }
0x11: {  	[smem:$0x3FB3] =	sst s9;
	s0 =	simm.s32 @!p0 $0x0  }
0x12: {  	s1 =	sld [smem:$0x3F99];
	s0 =	simm.s32 @p0 $0x1  }
0x13: {  	[smem:$0x3FB4] =	sst s0;
	s0 =	simm.s32 @!p1 $0x0  }
0x14: {  	s2 =	sld [smem:$0x3F98];
	s0 =	simm.s32 @p1 $0x1  }
0x15: {  	[smem:$0x3FB5] =	sst s0;
	s0 =	simm.s32 @!p2 $0x0  }
0x16: {  	s3 =	sld [smem:$0x3FDB];
	s0 =	simm.s32 @p2 $0x1  }
0x17: {  	s4 =	simm.s32 $0x1BF5;
	[smem:$0x3FB7] =	sst s0  }
0x18: {  	s0 =	sld [smem:$0x3F9A];
	_ =	swait.ge [sflag:s4], $0x0  }
0x19: {  	s7 =	sld [smem:$0x3F9B]  }
0x1a: {  	s8 =	sadd.s32 $0xFFFFE003, lr  }
0x1b: {  	s9 =	sadd.s32 $0xFFFFFEF7, lr;
	s5 =	simm.s32 $0xFFFFFFFF;
	p2 =	slt.u32 s8, $0xFFFFF086  }
0x1c: {  	p1 =	slt.u32 s9, $0xF7A;
	s5 =	simm.s32 @!p2 $0x0  }
0x1d: {  	s5 =	simm.s32 @p1 $0x1;
	p0 =	seq.s32 s7, s2  }
0x1e: {  	s7 =	smul.u32 @!p0 $0xF7A, s2;
	p2 =	seq.s32 @!p0 s5, $0x0  }
0x1f: {  	s9 =	smul.u32 $0xF7A, s1;
	s8 =	simm.s32 @!p0 $0x1BF5;
	p2 =	por !p2, p0  }
0x20: {  	[sflag:s8] =	ssyncset.s32 @!p0 $0xFFFFF086;
	s6 =	sadd.s32 @!p0 s3, s7;
	s7 =	simm.s32 @!p0 $0x108  }
0x21: {  	s3 =	sadd.s32 s3, s9;
	s6 =	sadd.s32 @!p0 $0x88, s6;
	s7 =	simm.s32 @p2 $0x1082  }
0x22: {  	[simem:s7], [sflag:s8] =	dma.local @!p0 [hbm:s6], $0xF7A  }
0x23: {  	s9 =	sor.u32 $0xD0000000, s2;
	s6 =	simm.s32 $0x108;
	_ =	swait.ge @!p0 [sflag:s8], $0x0  }
0x24: {  	s3 =	sadd.s32 $0x88, s3;
	s6 =	simm.s32 @!p1 $0x1082;
	[sflag:s4] =	ssyncset.s32 $0xFFFFF086  }
0x25: {  	[simem:s6], [sflag:s4] =	dma.local [hbm:s3], $0xF7A  }
0x26: {  	[smem:$0x3F9B] =	sst s1;
	(tag) =	ssettag s2;
	_ =	strace s9  }
0x27: {  	s1 =	sld [smem:$0x3FAB]  }
0x28: {  	s2 =	sld [smem:$0x3FAC]  }
0x29: {  	s4 =	sld [smem:$0x3FAE]  }
0x2a: {  	p0 =	seq.s32 s5, $0x0;
	s5 =	sld [smem:$0x3FAF]  }
0x2b: {  	s6 =	sld [smem:$0x3FB0]  }
0x2c: {  	s7 =	sld [smem:$0x3FB1]  }
0x2d: {  	s3 =	simm.s32 $0x108;
	s8 =	sld [smem:$0x3FB2]  }
0x2e: {  	s3 =	simm.s32 @!p0 $0x1082;
	s9 =	sld [smem:$0x3FB3]  }
0x2f: {  	lr =	sadd.s32 s0, s3;
	s0 =	sld [smem:$0x3FAA]  }
0x30: {  	s3 =	sld [smem:$0x3FAD]  }
0x31: {  	[smem:$0x3FB6] =	sst s10  }
0x32: {  	s10 =	sld [smem:$0x3FB4];
	_ =	sdelay $0x3  }
0x33: {  	p0 =	seq.s32 s10, $0x1;
	s10 =	sld [smem:$0x3FB6];
	_ =	sdelay $0x3  }
0x34: {  	[smem:$0x3FB6] =	sst s10  }
0x35: {  	s10 =	sld [smem:$0x3FB5];
	_ =	sdelay $0x3  }
0x36: {  	p1 =	seq.s32 s10, $0x1;
	s10 =	sld [smem:$0x3FB6];
	_ =	sdelay $0x3  }
0x37: {  	[smem:$0x3FB6] =	sst s10  }
0x38: {  	s10 =	sld [smem:$0x3FB7]  }
0x39: {  	_ = 	snop;
	(pc) =	sbr.ind lr, $3  }
0x3a: {  	_ = 	snop  }
0x3b: {  	_ = 	snop  }
0x3c: {  	p2 =	seq.s32 s10, $0x1;
	s10 =	sld [smem:$0x3FB6]  }
0x3d: {  	_ =	shalt  }
0x3e: {  	_ =	shalt  }
0x3f: {  	_ =	shalt  }
0x40: {  	_ =	shalt  }
0x41: {  	_ =	shalt  }
0x42: {  	_ =	shalt  }
0x43: {  	_ =	shalt  }
0x44: {  	_ =	shalt  }
0x45: {  	_ =	shalt  }
0x46: {  	_ =	shalt  }
0x47: {  	_ =	shalt  }
0x48: {  	_ =	shalt  }
0x49: {  	_ =	shalt  }
0x4a: {  	_ =	shalt  }
0x4b: {  	_ =	shalt  }
0x4c: {  	_ =	shalt  }
0x4d: {  	_ =	shalt  }
0x4e: {  	_ =	shalt  }
0x4f: {  	_ =	shalt  }
0x50: {  	_ =	shalt  }
0x51: {  	_ =	shalt  }
0x52: {  	_ =	shalt  }
0x53: {  	_ =	shalt  }
0x54: {  	_ =	shalt  }
0x55: {  	_ =	shalt  }
0x56: {  	_ =	shalt  }
0x57: {  	_ =	shalt  }
0x58: {  	_ =	shalt  }
0x59: {  	_ =	shalt  }
0x5a: {  	_ =	shalt  }
0x5b: {  	_ =	shalt  }
0x5c: {  	_ =	shalt  }
0x5d: {  	_ =	shalt  }
0x5e: {  	_ =	shalt  }
0x5f: {  	_ =	shalt  }
0x60: {  	_ =	shalt  }
0x61: {  	_ =	shalt  }
0x62: {  	_ =	shalt  }
0x63: {  	_ =	shalt  }
0x64: {  	_ =	shalt  }
0x65: {  	_ =	shalt  }
0x66: {  	_ =	shalt  }
0x67: {  	_ =	shalt  }
0x68: {  	_ =	shalt  }
0x69: {  	_ =	shalt  }
0x6a: {  	_ =	shalt  }
0x6b: {  	_ =	shalt  }
0x6c: {  	_ =	shalt  }
0x6d: {  	_ =	shalt  }
0x6e: {  	_ =	shalt  }
0x6f: {  	_ =	shalt  }
0x70: {  	_ =	shalt  }
0x71: {  	_ =	shalt  }
0x72: {  	_ =	shalt  }
0x73: {  	_ =	shalt  }
0x74: {  	_ =	shalt  }
0x75: {  	_ =	shalt  }
0x76: {  	_ =	shalt  }
0x77: {  	_ =	shalt  }
0x78: {  	_ =	shalt  }
0x79: {  	_ =	shalt  }
0x7a: {  	_ =	shalt  }
0x7b: {  	_ =	shalt  }
0x7c: {  	_ =	shalt  }
0x7d: {  	_ =	shalt  }
0x7e: {  	_ =	shalt  }
0x7f: {  	_ =	shalt  }
0x80: {  	_ =	shalt  }
0x81: {  	_ =	shalt  }
0x82: {  	_ =	shalt  }
0x83: {  	_ =	shalt  }
0x84: {  	_ =	shalt  }
0x85: {  	_ =	shalt  }
0x86: {  	_ =	shalt  }
0x87: {  	_ =	shalt  }
.Lfunc_end0:
.L_simem_size_0:
called_computation.1_lowered:
.L_overlay_start_0:
0x88: {  	s2 =	sld [smem:$0x3FD9]  }
0x89: {  	s3 =	sld [smem:$0x3FFE];
	_ =	sdelay $0x1  }
0x8a: {  	s1 =	srdreg.scid  }
0x8b: {  	s0 =	sand.u32 $0x1, s1  }
0x8c: {  	s17 =	sshll.u32 s0, $0xA;
	s2 =	sadd.s32 s3, s2  }
0x8d: {  	s2 =	sadd.s32 s2, s17  }
0x8e: {  	[smem:$0x3FC2] =	sst s2  }
0x8f: {  	_ = 	snop  }
0x90: {  	s2 =	sld [smem:$0x3FC6];
	(tm) =	ssettm $0x1  }
0x91: {  	s18 =	sld [smem:$0x3FFB];
	_ =	sdelay $0x3  }
0x92: {  	_ =	strace s18  }
0x93: {  	s3 =	sld [smem:$0x3FFC];
	_ =	sdelay $0x3  }
0x94: {  	_ =	strace s3  }
0x95: {  	s3 =	sld [smem:$0x3FFD];
	_ =	sdelay $0x3  }
0x96: {  	_ =	strace s3  }
0x97: {  	_ =	strace $0x8FFFFFFF  }
0x98: {  	s19 =	sld [smem:$0x3FDB];
	_ =	sdelay $0x1  }
0x99: {  	s4 =	simm.s32 $_scs_section_size  }
0x9a: {  	s5 =	simm.s32 $_size__tile_overlayer_lowered;
	s6 =	simm.s32 $_tile_overlayer_lowered  }
0x9b: {  	s22 =	simm.s32 $0x1BFF;
	s21 =	sshll.u32 s6, $0x1;
	s3 =	sadd.s32 s4, s19  }
0x9c: {  	s7 =	simm.s32 $0x0;
	s20 =	sshll.u32 s5, $0x1;
	s5 =	sadd.s32 s21, s3  }
0x9d: {  	[timem:s7], [sflag:s22] =	dma.local [hbm:s5], s20  }
0x9e: {  	_ =	swait.ge [sflag:s22], s20  }
0x9f: {  	s4 =	ssub.s32 $0x0, s20;
	[sflag:s22] =	ssyncset.done $0x0  }
0xa0: {  	[sflag:s22] =	ssyncadd.s32 s4;
	_ =	sdelay $0x1  }
0xa1: {  	s23 =	simm.s32 $0x1B8B  }
0xa2: {  	_ =	swait.ge [sflag:s23], $0x1  }
0xa3: {  	[sflag:s23] =	ssyncset.done $0x0  }
0xa4: {  	s25 =	simm.s32 $0x1B8E;
	s24 =	sld [smem:$0x3FFE];
	[sflag:s23] =	ssyncadd.s32 $0xFFFFFFFF  }
0xa5: {  	s26 =	simm.s32 $execute0_lowered;
	[smem:$0x3FD2] =	sst s25  }
0xa6: {  	s5 =	sshll.u32 s26, $0x1;
	_ =	strace $0x80000049;
	[dreg:$0x1] =	wrdreg $0xFFFFFFFF  }
0xa7: {  	s28 =	simm.s32 $_size_execute0_lowered;
	s3 =	sadd.s32 s3, s5;
	[dreg:$0x0] =	wrdreg $0x0  }
0xa8: {  	s5 =	sshll.u32 s28, $0x1;
	[dreg:$0x2] =	wrdreg s3  }
0xa9: {  	[dreg:$0x3] =	wrdreg s5  }
0xaa: {  	[dreg:$0x4] =	wrdreg $0xC0  }
0xab: {  	_ =	task [dreg:s7], $0x5FFFF  }
0xac: {  	[dreg:$0x1] =	wrdreg $0xFFFFFFFF  }
0xad: {  	[dreg:$0x0] =	wrdreg $0x60  }
0xae: {  	[dreg:$0x2] =	wrdreg s24  }
0xaf: {  	[dreg:$0x3] =	wrdreg s2  }
0xb0: {  	[dreg:$0x4] =	wrdreg $0xE8100  }
0xb1: {  	[dreg:$0x5] =	wrdreg $0xC0100  }
0xb2: {  	[dreg:$0x6] =	wrdreg $0x9  }
0xb3: {  	_ =	task.clear_ibuf [dreg:s7], $0x7FFFF;
	_ =	strace $0x90000049  }
0xb4: {  	s29 =	simm.s32 $0x9;
	_ =	strace $0x8000004B  }
0xb5: {  	_ =	swait.ge [sflag:s29], $0x1  }
0xb6: {  	[sflag:s29] =	ssyncadd.s32 $0xFFFFFFFF  }
0xb7: {  	_ =	strace $0x9000004B  }
0xb8: {  	_ =	sfence  }
0xb9: {  	s30 =	sld [smem:$0x0];
	_ =	sdelay $0x2  }
0xba: {  	s31 =	sshll.u32 s1, $0xD;
	s1 =	sshrl.u32 s1, $0x2  }
0xbb: {  	s3 =	sand.u32 $0x4000, s31;
	s1 =	sadd.s32 s1, s30  }
0xbc: {  	s0 =	sor.u32 s3, s0;
	s1 =	sshll.u32 s1, $0x11  }
0xbd: {  	s0 =	sor.u32 s1, s0  }
0xbe: {  	s0 =	sadd.s32 $0x8F2B, s0  }
0xbf: {  	[sflag:s0] =	ssyncadd.remote.s32 $0x1  }
0xc0: {  	_ =	sfence.sel $0xFFFF  }
0xc1: {  	[dreg:$0x0] =	wrdreg $0xFFFFFFFF;
	(pc) =	sbr.abs _section_cstart, $3  }
0xc2: {  	[dreg:$0x1] =	wrdreg $0xFFFFFFFF  }
0xc3: {  	_ =	task.clear_ibuf [dreg:s7], $0x2FFFF;
	_ =	strace $0x9FFFFFFF  }
0xc4: {  	(tm) =	ssettm $0x7FFFFFFF  }
0xc5: {  	_ =	shalt  }
tec
execute0_lowered:
.L_overlay_start_1:
0x0: {  	(tag) =	ssettag $0x1  }
0x1: {  	s0 =	rddreg [dreg:$0x0]  }
0x2: {  	s3 =	rddreg [dreg:$0x2];
	s1 =	srdreg.scid  }
0x3: {  	s4 =	rddreg [dreg:$0x3];
	s7 =	stileid.u32;
	s5 =	simm.s32 $0x0  }
0x4: {  	s14 =	simm.s32 $0x1400;
	s15 =	simm.s32 $0x7000;
	s18 =	simm.s32 $0x3  }
0x5: {  	s19 =	simm.s32 $0x4;
	s20 =	simm.s32 $0x5;
	s21 =	simm.s32 $0x9  }
0x6: {  	s22 =	simm.s32 $0x1;
	s23 =	simm.s32 $0x2;
	s28 =	simm.s32 $0x3000  }
0x7: {  	s30 =	simm.s32 $0x3800;
	s31 =	simm.s32 $0x7;
	s1 =	sand.u32 $0x1, s1  }
0x8: {  	s2 =	smul.u32 $0x2800, s7;
	[smem:$0x7FF] =	sst s5;
	s6 =	sshll.u32 s1, $0x4  }
0x9: {  	s24 =	smul.u32 $0x28000, s1;
	_ =	strace $0x8000004A;
	s1 =	ssub.s32 $0x2, s1  }
0xa: {  	s6 =	sor.u32 s7, s6;
	s8 =	sshrl.u32 s2, $0x3;
	s26 =	sshrl.u32 s1, $0x1  }
0xb: {  	s10 =	sadd.s32 s2, s3;
	s11 =	sadd.s32 s2, s4;
	s6 =	smul.u32 $0x1400, s6  }
0xc: {  	s9 =	sadd.s32 s8, s0;
	s7 =	sadd.s32 s2, s24;
	s1 =	ssub.s32 s1, s26  }
0xd: {  	s26 =	simm.s32 $0x2800;
	s2 =	simm.s32 $0x4000;
	s24 =	simm.s32 $0x6  }
.Ltmp0:
0xe: {  	s7 =	sshrl.u32 s7, $0x3;
	s8 =	sadd.s32 $0xAE00, s9;
	(pc) =	sbr.rel .LBB2_1-.Ltmp0, $4  }
0xf: {  	s9 =	sadd.s32 $0xFE00, s9;
	s13 =	smax.u32 s1, $0x1;
	s6 =	sshrl.u32 s6, $0x3  }
0x10: {  	s1 =	simm.s32 $0x0;
	s25 =	sadd.s32 s6, s0;
	s0 =	sadd.s32 s7, s0  }
0x11: {  	s29 =	sadd.s32 $0xE00, s25;
	s7 =	sadd.s32 $0x5E00, s25;
	s12 =	sadd.s32 $0x14E00, s0  }
0x12: {  	v0 =	vimm.f32 $0.0e+00;
	s25 =	simm.s32 $0x80;
	s0 =	simm.s32 $0x8;
	[dreg:$0x5] =	wrdreg s29  }
.LBB2_8:
0x13: {  	_ =	swait.ge [sflag:s19], $0x800  }
0x14: {  	[sflag:s19] =	ssyncset.done $0x0  }
0x15: {  	[sflag:s19] =	ssyncadd.s32 $0xFFFFF800  }
0x16: {  	[spmem:s4] =	stream.indirect.scatter.add.f32 [tilespmem:s2], [sflag:$0x8], $0x10, s29, s25, $0xb8;
	[tilespmem:$0x11010] =	vst v63  }
0x17: {  	_ =	swait.ge [sflag:s24], $0x800  }
0x18: {  	[sflag:s24] =	ssyncset.done $0x0  }
0x19: {  	[sflag:s24] =	ssyncadd.s32 $0xFFFFF800  }
0x1a: {  	_ =	swait.ge [sflag:s31], $0x800  }
0x1b: {  	[sflag:s31] =	ssyncset.done $0x0  }
0x1c: {  	[sflag:s31] =	ssyncadd.s32 $0xFFFFF800  }
0x1d: {  	s6 =	stileid.u32;
	_ =	swait.ge [sflag:s0], $0x800  }
0x1e: {  	s16 =	sshrl.u32 s11, $0x3;
	s1 =	sadd.s32 $0x1, s1;
	[sflag:s0] =	ssyncset.done $0x0  }
0x1f: {  	s6 =	sshll.u32 s6, $0x6;
	p0 =	sne.s32 s1, s13;
	[sflag:s0] =	ssyncadd.s32 $0xFFFFF800  }
.Ltmp1:
0x20: {  	s6 =	sor.u32 $0x1C09, s6;
	[bflag:$0x0] =	sbarrier.arrive $0xFFFF;
	(pc) =	sbr.rel @!p0 .LBB2_9-.Ltmp1, $4  }
0x21: {  	[hbm:s12], [sflag:s6] =	dma.local [spmem:s16], $0x500  }
0x22: {  	_ =	swait.ge [sflag:s21], $0x500  }
0x23: {  	[sflag:s21] =	ssyncset.done $0x0  }
0x24: {  	[sflag:s21] =	ssyncadd.s32 $0xFFFFFB00  }
.LBB2_1:
0x25: {  	s6 =	rddreg [dreg:$0x5]  }
0x26: {  	[tilespmem:s5], [sflag:$0x1] =	stream.linear.gather [hbm4b:s6+s5], $0x1400, $0x38;
	[tilespmem:$0x11010] =	vst v63  }
0x27: {  	_ = 	snop  }
0x28: {  	[tilespmem:s14], [sflag:$0x2] =	stream.linear.gather [hbm4b:s7+s5], $0x1400, $0x38;
	[tilespmem:$0x11010] =	vst v63  }
0x29: {  	_ = 	snop  }
0x2a: {  	[tilespmem:s15], [sflag:$0x3] =	stream.linear.gather [hbm4b:s8+s5], $0x2800, $0x38;
	[tilespmem:$0x11010] =	vst v63  }
0x2b: {  	s17 =	simm.s32 $0x9800  }
0x2c: {  	[tilespmem:s17], [sflag:$0x4] =	stream.linear.gather [hbm4b:s9+s5], $0x2800, $0x38;
	[tilespmem:$0x11010] =	vst v63  }
0x2d: {  	s29 =	rddreg [dreg:$0x1];
	s16 =	simm.s32 $0xC000  }
0x2e: {  	[tilespmem:s16], [sflag:$0x5] =	stream.linear.gather [hbm4b:s29+s5], $0x10, $0x38;
	[tilespmem:$0x11010] =	vst v63  }
0x2f: {  	s17 =	simm.s32 $0x0;
	s16 =	simm.s32 $0x40  }
.LBB2_2:
0x30: {  	p0 =	sne.s32 s16, $0x9FC0;
	[tilespmem:s17+$0x4800] =	vst v0;
	s17 =	smov.u32 s16;
	s16 =	sadd.s32 $0x40, s16  }
.Ltmp2:
0x31: {  	(pc) =	sbr.rel @p0 .LBB2_2-.Ltmp2, $2  }
0x32: {  	_ =	sdelay $0x2  }
0x33: {  	s17 =	sshra.s32 s17, $0x2  }
0x34: {  	[tilespmem:s17+$0x4800] =	vst v0  }
0x35: {  	_ =	swait.ge [sflag:s18], $0x2800  }
0x36: {  	[sflag:s18] =	ssyncset.done $0x0  }
0x37: {  	[sflag:s18] =	ssyncadd.s32 $0xFFFFD800  }
0x38: {  	_ =	swait.ge [sflag:s19], $0x2800  }
0x39: {  	[sflag:s19] =	ssyncset.done $0x0  }
0x3a: {  	[sflag:s19] =	ssyncadd.s32 $0xFFFFD800  }
0x3b: {  	_ =	swait.ge [sflag:s20], $0x10  }
0x3c: {  	[sflag:s20] =	ssyncset.done $0x0  }
0x3d: {  	[sflag:s20] =	ssyncadd.s32 $0xFFFFFFF0  }
0x3e: {  	s16 =	simm.s32 $0x0;
	v1 =	vld [tilespmem:$0xC000]  }
0x3f: {  	s17 =	simm.s32 $0x40;
	v2 =	vld [tilespmem:s16+$0x9800]  }
.LBB2_4:
0x40: {  	p0 =	sne.s32 s17, $0x9FC0;
	v3 =	vld [tilespmem:s16+$0x7000];
	_ =	sdelay $0x4  }
0x41: {  	v2 =	vadd.f32 v2, v3  }
.Ltmp3:
0x42: {  	(pc) =	sbr.rel @p0 .LBB2_4-.Ltmp3, $3  }
0x43: {  	v2 =	vadd.f32 v2, v1;
	_ =	sdelay $0x1  }
0x44: {  	s29 =	sshra.s32 s17, $0x2;
	v3 =	vmax.f32 v2, $0.0e+00  }
0x45: {  	s17 =	sadd.s32 $0x40, s17;
	v2 =	vld [tilespmem:s29+$0x9800];
	[tilespmem:s16+$0x7000] =	vst v3;
	s16 =	smov.u32 s29  }
0x46: {  	v3 =	vld [tilespmem:s16+$0x7000];
	_ =	sdelay $0x4  }
0x47: {  	v2 =	vadd.f32 v2, v3;
	_ =	sdelay $0x1  }
0x48: {  	v1 =	vadd.f32 v2, v1;
	_ =	sdelay $0x1  }
0x49: {  	v1 =	vmax.f32 v1, $0.0e+00  }
0x4a: {  	[tilespmem:s16+$0x7000] =	vst v1  }
0x4b: {  	[spmem:s10] =	stream.linear.scatter [tilespmem:s15], [sflag:$0x9], $0x2800, $0x38;
	[tilespmem:$0x11010] =	vst v63  }
0x4c: {  	_ =	swait.ge [sflag:s21], $0x2800  }
0x4d: {  	[sflag:s21] =	ssyncset.done $0x0  }
0x4e: {  	[sflag:s21] =	ssyncadd.s32 $0xFFFFD800  }
0x4f: {  	_ =	swait.ge [sflag:s22], $0x1400  }
0x50: {  	[sflag:s22] =	ssyncset.done $0x0  }
0x51: {  	[sflag:s22] =	ssyncadd.s32 $0xFFFFEC00  }
0x52: {  	_ =	swait.ge [sflag:s23], $0x1400  }
0x53: {  	[sflag:s23] =	ssyncset.done $0x0  }
0x54: {  	s6 =	simm.s32 $0x4800;
	[sflag:s23] =	ssyncadd.s32 $0xFFFFEC00  }
0x55: {  	[spmem:s11] =	stream.linear.scatter [tilespmem:s6], [sflag:$0x9], $0x2800, $0x38;
	[tilespmem:$0x11010] =	vst v63  }
0x56: {  	_ =	swait.ge [sflag:s21], $0x2800  }
0x57: {  	[sflag:s21] =	ssyncset.done $0x0  }
0x58: {  	[sflag:s21] =	ssyncadd.s32 $0xFFFFD800  }
0x59: {  	s16 =	simm.s32 $0x0;
	[bflag:$0x0] =	sbarrier.arrive $0xFFFF  }
0x5a: {  	[tilespmem:s26], [sflag:$0x1] =	stream.indirect.gather [spmem:s3], $0x10, s16, s25, $0xb8;
	[tilespmem:$0x11010] =	vst v63  }
0x5b: {  	_ = 	snop  }
0x5c: {  	[tilespmem:s28], [sflag:$0x2] =	stream.indirect.gather [spmem:s3], $0x10, s25, s25, $0xb8;
	[tilespmem:$0x11010] =	vst v63  }
0x5d: {  	_ =	swait.ge [sflag:s22], $0x800  }
0x5e: {  	[sflag:s22] =	ssyncset.done $0x0  }
0x5f: {  	[sflag:s22] =	ssyncadd.s32 $0xFFFFF800  }
0x60: {  	[spmem:s4] =	stream.indirect.scatter.add.f32 [tilespmem:s26], [sflag:$0x5], $0x10, s14, s25, $0xb8;
	[tilespmem:$0x11010] =	vst v63  }
0x61: {  	s29 =	simm.s32 $0x100  }
0x62: {  	[tilespmem:s30], [sflag:$0x3] =	stream.indirect.gather [spmem:s3], $0x10, s29, s25, $0xb8;
	[tilespmem:$0x11010] =	vst v63  }
0x63: {  	_ =	swait.ge [sflag:s23], $0x800  }
0x64: {  	[sflag:s23] =	ssyncset.done $0x0  }
0x65: {  	s17 =	simm.s32 $0x1480;
	[sflag:s23] =	ssyncadd.s32 $0xFFFFF800  }
0x66: {  	[spmem:s4] =	stream.indirect.scatter.add.f32 [tilespmem:s28], [sflag:$0x6], $0x10, s17, s25, $0xb8;
	[tilespmem:$0x11010] =	vst v63  }
0x67: {  	s29 =	simm.s32 $0x180  }
0x68: {  	[tilespmem:s2], [sflag:$0x4] =	stream.indirect.gather [spmem:s3], $0x10, s29, s25, $0xb8;
	[tilespmem:$0x11010] =	vst v63  }
0x69: {  	_ =	swait.ge [sflag:s18], $0x800  }
0x6a: {  	[sflag:s18] =	ssyncset.done $0x0  }
0x6b: {  	s17 =	simm.s32 $0x1500;
	[sflag:s18] =	ssyncadd.s32 $0xFFFFF800  }
0x6c: {  	[spmem:s4] =	stream.indirect.scatter.add.f32 [tilespmem:s30], [sflag:$0x7], $0x10, s17, s25, $0xb8;
	[tilespmem:$0x11010] =	vst v63  }
0x6d: {  	_ =	swait.ge [sflag:s20], $0x800  }
0x6e: {  	[sflag:s20] =	ssyncset.done $0x0  }
0x6f: {  	s29 =	simm.s32 $0x200;
	[sflag:s20] =	ssyncadd.s32 $0xFFFFF800  }
0x70: {  	[tilespmem:s26], [sflag:$0x1] =	stream.indirect.gather [spmem:s3], $0x10, s29, s25, $0xb8;
	[tilespmem:$0x11010] =	vst v63  }
0x71: {  	_ =	swait.ge [sflag:s19], $0x800  }
0x72: {  	[sflag:s19] =	ssyncset.done $0x0  }
0x73: {  	s17 =	simm.s32 $0x1580;
	[sflag:s19] =	ssyncadd.s32 $0xFFFFF800  }
0x74: {  	[spmem:s4] =	stream.indirect.scatter.add.f32 [tilespmem:s2], [sflag:$0x8], $0x10, s17, s25, $0xb8;
	[tilespmem:$0x11010] =	vst v63  }
0x75: {  	_ =	swait.ge [sflag:s24], $0x800  }
0x76: {  	[sflag:s24] =	ssyncset.done $0x0  }
0x77: {  	s29 =	simm.s32 $0x280;
	[sflag:s24] =	ssyncadd.s32 $0xFFFFF800  }
0x78: {  	[tilespmem:s28], [sflag:$0x2] =	stream.indirect.gather [spmem:s3], $0x10, s29, s25, $0xb8;
	[tilespmem:$0x11010] =	vst v63  }
.LBB2_6:
0x79: {  	_ =	swait.ge [sflag:s22], $0x800  }
0x7a: {  	s17 =	sshra.s32 s16, $0x2;
	[sflag:s22] =	ssyncset.done $0x0  }
0x7b: {  	s29 =	sadd.s32 $0x1600, s17;
	[sflag:s22] =	ssyncadd.s32 $0xFFFFF800  }
0x7c: {  	[spmem:s4] =	stream.indirect.scatter.add.f32 [tilespmem:s26], [sflag:$0x5], $0x10, s29, s25, $0xb8;
	[tilespmem:$0x11010] =	vst v63  }
0x7d: {  	_ =	swait.ge [sflag:s31], $0x800  }
0x7e: {  	[sflag:s31] =	ssyncset.done $0x0  }
0x7f: {  	s29 =	sadd.s32 $0x300, s17;
	[sflag:s31] =	ssyncadd.s32 $0xFFFFF800  }
0x80: {  	[tilespmem:s30], [sflag:$0x3] =	stream.indirect.gather [spmem:s3], $0x10, s29, s25, $0xb8;
	[tilespmem:$0x11010] =	vst v63  }
0x81: {  	_ =	swait.ge [sflag:s23], $0x800  }
0x82: {  	[sflag:s23] =	ssyncset.done $0x0  }
0x83: {  	s29 =	sadd.s32 $0x1680, s17;
	[sflag:s23] =	ssyncadd.s32 $0xFFFFF800  }
0x84: {  	[spmem:s4] =	stream.indirect.scatter.add.f32 [tilespmem:s28], [sflag:$0x6], $0x10, s29, s25, $0xb8;
	[tilespmem:$0x11010] =	vst v63  }
0x85: {  	_ =	swait.ge [sflag:s0], $0x800  }
0x86: {  	[sflag:s0] =	ssyncset.done $0x0  }
0x87: {  	s29 =	sadd.s32 $0x380, s17;
	[sflag:s0] =	ssyncadd.s32 $0xFFFFF800  }
0x88: {  	[tilespmem:s2], [sflag:$0x4] =	stream.indirect.gather [spmem:s3], $0x10, s29, s25, $0xb8;
	[tilespmem:$0x11010] =	vst v63  }
0x89: {  	_ =	swait.ge [sflag:s18], $0x800  }
0x8a: {  	p0 =	seq.s32 s16, $0x4000;
	[sflag:s18] =	ssyncset.done $0x0  }
.Ltmp4:
0x8b: {  	s29 =	sadd.s32 $0x1700, s17;
	[sflag:s18] =	ssyncadd.s32 $0xFFFFF800;
	(pc) =	sbr.rel @p0 .LBB2_8-.Ltmp4, $4  }
0x8c: {  	[spmem:s4] =	stream.indirect.scatter.add.f32 [tilespmem:s30], [sflag:$0x7], $0x10, s29, s25, $0xb8;
	[tilespmem:$0x11010] =	vst v63  }
0x8d: {  	_ =	swait.ge [sflag:s20], $0x800  }
0x8e: {  	[sflag:s20] =	ssyncset.done $0x0  }
0x8f: {  	s29 =	sadd.s32 $0x1780, s17;
	[sflag:s20] =	ssyncadd.s32 $0xFFFFF800  }
0x90: {  	s6 =	sadd.s32 $0x400, s17  }
0x91: {  	[tilespmem:s26], [sflag:$0x1] =	stream.indirect.gather [spmem:s3], $0x10, s6, s25, $0xb8;
	[tilespmem:$0x11010] =	vst v63  }
0x92: {  	_ =	swait.ge [sflag:s19], $0x800  }
0x93: {  	[sflag:s19] =	ssyncset.done $0x0  }
0x94: {  	[sflag:s19] =	ssyncadd.s32 $0xFFFFF800  }
0x95: {  	[spmem:s4] =	stream.indirect.scatter.add.f32 [tilespmem:s2], [sflag:$0x8], $0x10, s29, s25, $0xb8;
	[tilespmem:$0x11010] =	vst v63  }
.Ltmp5:
0x96: {  	_ = 	snop;
	(pc) =	sbr.rel .LBB2_6-.Ltmp5, $4  }
0x97: {  	_ =	swait.ge [sflag:s24], $0x800  }
0x98: {  	[sflag:s24] =	ssyncset.done $0x0  }
0x99: {  	s16 =	sadd.s32 $0x800, s16;
	s29 =	sadd.s32 $0x480, s17;
	[sflag:s24] =	ssyncadd.s32 $0xFFFFF800  }
0x9a: {  	[tilespmem:s28], [sflag:$0x2] =	stream.indirect.gather [spmem:s3], $0x10, s29, s25, $0xb8;
	[tilespmem:$0x11010] =	vst v63  }
.LBB2_9:
0x9b: {  	_ =	sfence.sel $0x180000  }
0x9c: {  	[bflag:$0x0] =	sbarrier.arrive $0xFFFF  }
0x9d: {  	_ =	strace $0x9000004A  }
0x9e: {  	s0 =	stileid.u32;
	[bflag:$0x2] =	sbarrier.arrive $0xFFFF  }
0x9f: {  	p0 =	sne.s32 s0, $0x0;
	s0 =	rddreg [dreg:$0x4]  }
0xa0: {  	s0 =	sadd.s32 @!p0 $0x100000, s0  }
0xa1: {  	[sflag:s0] =	ssyncadd.tile.s32 @!p0 $0x1;
	_ =	shalt  }
.Lfunc_end2:
_tile_overlayer_lowered:
.L_overlay_start_2:
0xa2: {  	(tag) =	ssettag $0x2  }
0xa3: {  	s0 =	rddreg [dreg:$0x0];
	s2 =	stileid.u32  }
0xa4: {  	s1 =	rddreg [dreg:$0x1];
	p0 =	sne.s32 s2, $0x0  }
0xa5: {  	s3 =	rddreg [dreg:$0x2];
	[bflag:$0x3] =	sbarrier.arrive $0xFFFF;
	s2 =	simm.s32 @!p0 $0x1C09  }
0xa6: {  	[timem:s3], [sflag:s2] =	dma.local @!p0 [hbm:s0], s1  }
0xa7: {  	s0 =	simm.s32 @!p0 $0x9  }
0xa8: {  	_ =	swait.ge @!p0 [sflag:s0], s1  }
0xa9: {  	s1 =	ssub.s32 @!p0 $0x0, s1;
	[sflag:s0] =	ssyncset.done @!p0 $0x0  }
0xaa: {  	[sflag:s0] =	ssyncadd.s32 @!p0 s1  }
0xab: {  	[bflag:$0x3] =	sbarrier.arrive $0xFFFF  }
0xac: {  	_ =	shalt  }

</sc_bundles>
